<compile_context>
chip_gen: v7x
topology: tpu7x:2x2x1
jax: 0.10.2.dev20260603
libtpu: 0.0.44.dev20260713+nightly
codegen_flags: <defaults>
</compile_context>

<pallas_src>
import functools

import jax
import jax.numpy as jnp
from jax import lax
from jax.experimental import pallas as pl
from jax.experimental.pallas import tpu as pltpu
from jax.experimental.pallas import tpu_sc as plsc

_NC = 2
_NS = 16
_NW = _NC * _NS
_L = 16
_R = 64


def _sc_body(bsz, seq_len, off_hbm, w_hbm, out_hbm, off_v, idx_v, rows_v,
             gsem):
    wid = lax.axis_index("s") * _NC + lax.axis_index("c")
    rows_per_w = seq_len // _NW
    nchunk = rows_per_w // _R

    pltpu.sync_copy(off_hbm, off_v)
    off_vec = off_v[...]
    lanes = lax.iota(jnp.int32, _L)

    for ck in range(nchunk):
        start = wid * rows_per_w + ck * _R
        for r in range(_R // _L):
            idx_v[pl.ds(r * _L, _L)] = off_vec + (start + r * _L) + lanes
        pltpu.async_copy(w_hbm.at[idx_v], rows_v, gsem).wait()
        for b in range(bsz):
            pltpu.sync_copy(rows_v, out_hbm.at[b, pl.ds(start, _R)])


def kernel(input, weights, offset):
    bsz, seq_len = input.shape
    num_emb, dim = weights.shape
    off_arr = jnp.full((_L,), jnp.asarray(offset, jnp.int32))

    body = functools.partial(_sc_body, bsz, seq_len)
    sck = pl.kernel(
        body,
        out_type=jax.ShapeDtypeStruct((bsz, seq_len, dim), weights.dtype),
        mesh=plsc.VectorSubcoreMesh(core_axis_name="c", subcore_axis_name="s"),
        scratch_types=[
            pltpu.VMEM((_L,), jnp.int32),
            pltpu.VMEM((_R,), jnp.int32),
            pltpu.VMEM((_R, dim), jnp.float32),
            pltpu.SemaphoreType.DMA,
        ],
    )
    return sck(off_arr, weights)

# --- scband reference (transcript-rebuilt; emitter-appended) ---
"""Pipeline reference for scband-sinusoidal-positional-embedding-9259949490203 (READ-ONLY COPY).

The authoritative reference and input builder live on the scoring server;
editing this copy changes nothing except your own understanding.
"""

import jax, jax.numpy as jnp
import numpy as np
import math

EMBEDDING_DIM = 1024
INIT_SIZE = 8192
BSZ = 4
SEQ_LEN = 8192


def _get_embedding(num_embeddings, embedding_dim):
    half_dim = embedding_dim // 2
    scale = math.log(10000) / (half_dim - 1)
    emb = jnp.exp(jnp.arange(half_dim, dtype=jnp.float32) * -scale)
    emb = jnp.arange(num_embeddings, dtype=jnp.float32)[:, None] * emb[None, :]
    emb = jnp.concatenate([jnp.sin(emb), jnp.cos(emb)], axis=1).reshape(num_embeddings, -1)
    if embedding_dim % 2 == 1:
        emb = jnp.concatenate([emb, jnp.zeros((num_embeddings, 1), dtype=jnp.float32)], axis=1)
    return emb


def setup_inputs(seed: int = 0) -> dict:
    key = jax.random.key(seed)
    inp = jax.random.randint(key, (BSZ, SEQ_LEN), 0, 32000).astype(jnp.int64)
    weights = _get_embedding(INIT_SIZE, EMBEDDING_DIM)
    return {"input": inp, "weights": weights, "offset": 0}


def reference(input, weights, offset=0):
    bsz, seq_len = input.shape
    positions = offset + jnp.arange(seq_len)
    res = jnp.take(weights, positions, axis=0)
    res = jnp.broadcast_to(res[None, :, :], (bsz, seq_len, res.shape[-1]))
    return res

if __name__ == "__main__":
    import jax
    _d = setup_inputs()
    print(jax.jit(kernel)(*tuple(_d.values())))

</pallas_src>

<mosaic_0001>
#map = affine_map<(d0, d1) -> (0)>
#map1 = affine_map<(d0, d1) -> (0, 0)>
#map2 = affine_map<(d0, d1) -> (0, 0, 0)>
module attributes {stable_mosaic.version = 14 : i64} {
  func.func @_sc_body(%arg0: i32, %arg1: i32, %arg2: memref<16xi32, #tpu.memory_space<hbm>>, %arg3: memref<8192x1024xf32, #tpu.memory_space<hbm>>, %arg4: memref<4x8192x1024xf32, #tpu.memory_space<hbm>>, %arg5: memref<16xi32, #tpu.memory_space<vmem>>, %arg6: memref<64xi32, #tpu.memory_space<vmem>>, %arg7: memref<64x1024xf32, #tpu.memory_space<vmem>>, %arg8: memref<!tpu.dma_semaphore, #tpu.memory_space<semaphore_mem>>) attributes {dimension_semantics = [#tpu.dimension_semantics<core_parallel>, #tpu.dimension_semantics<subcore_parallel>], iteration_bounds = array<i64: 2, 16>, scalar_prefetch = 0 : i64, scratch_operands = 4 : i64, tpu.core_type = #tpu.core_type<sc_vector_subcore>, window_params = [{transform_indices = #map}, {transform_indices = #map1}, {transform_indices = #map2}]} {
    %mul3A = arith.constant 2 : i32
    %mul3A_0 = arith.muli %arg1, %mul3A : i32
    %add3A = arith.addi %mul3A_0, %arg0 : i32
    "tpu.region"() ({
      %run_scoped3A_199 = tpu.sem_alloc : memref<!tpu.dma_semaphore, #tpu.memory_space<semaphore_mem>>
      tpu.enqueue_dma source(%arg2 : memref<16xi32, #tpu.memory_space<hbm>>) target(%arg5 : memref<16xi32, #tpu.memory_space<vmem>>) target_semaphore(%run_scoped3A_199 : memref<!tpu.dma_semaphore, #tpu.memory_space<semaphore_mem>>)
      tpu.wait_dma2 semaphore(%run_scoped3A_199 : memref<!tpu.dma_semaphore, #tpu.memory_space<semaphore_mem>>) src(%arg2 : memref<16xi32, #tpu.memory_space<hbm>>) dst(%arg5 : memref<16xi32, #tpu.memory_space<vmem>>)
      tpu.yield
    }) : () -> ()
    %get3A = arith.constant 0 : index
    %get3A_1 = tpu.vector_load %arg5[%get3A] {strides = array<i32>} : memref<16xi32, #tpu.memory_space<vmem>>, vector<16xi32>,
    %get3A_2 = vector.shape_cast %get3A_1 : vector<16xi32> to vector<16xi32>
    %iota3A = tpu.iota {dimensions = array<i32: 0>} : vector<16xi32>
    %mul3A_3 = arith.constant 256 : i32
    %mul3A_4 = arith.muli %add3A, %mul3A_3 : i32
    %add3A_5 = arith.constant 0 : i32
    %add3A_6 = arith.addi %mul3A_4, %add3A_5 : i32
    %add3A_7 = arith.constant 0 : i32
    %add3A_8 = arith.addi %add3A_6, %add3A_7 : i32
    %add3A_9 = vector.broadcast %add3A_8 : i32 to vector<16xi32>
    %add3A_10 = arith.addi %get3A_2, %add3A_9 : vector<16xi32>
    %add3A_11 = arith.addi %add3A_10, %iota3A : vector<16xi32>
    %swap3A = arith.constant 0 : index
    %swap3A_12 = tpu.vector_load %arg6[%swap3A] {strides = array<i32>} : memref<64xi32, #tpu.memory_space<vmem>>, vector<16xi32>,
    %swap3A_13 = vector.shape_cast %swap3A_12 : vector<16xi32> to vector<16xi32>
    %swap3A_14 = vector.shape_cast %add3A_11 : vector<16xi32> to vector<16xi32>
    tpu.vector_store %arg6[%swap3A], %swap3A_14 {strides = array<i32>} : memref<64xi32, #tpu.memory_space<vmem>>, vector<16xi32>,
    %add3A_15 = arith.constant 16 : i32
    %add3A_16 = arith.addi %add3A_6, %add3A_15 : i32
    %add3A_17 = vector.broadcast %add3A_16 : i32 to vector<16xi32>
    %add3A_18 = arith.addi %get3A_2, %add3A_17 : vector<16xi32>
    %add3A_19 = arith.addi %add3A_18, %iota3A : vector<16xi32>
    %swap3A_20 = arith.constant 16 : index
    %swap3A_21 = tpu.vector_load %arg6[%swap3A_20] {strides = array<i32>} : memref<64xi32, #tpu.memory_space<vmem>>, vector<16xi32>,
    %swap3A_22 = vector.shape_cast %swap3A_21 : vector<16xi32> to vector<16xi32>
    %swap3A_23 = vector.shape_cast %add3A_19 : vector<16xi32> to vector<16xi32>
    tpu.vector_store %arg6[%swap3A_20], %swap3A_23 {strides = array<i32>} : memref<64xi32, #tpu.memory_space<vmem>>, vector<16xi32>,
    %add3A_24 = arith.constant 32 : i32
    %add3A_25 = arith.addi %add3A_6, %add3A_24 : i32
    %add3A_26 = vector.broadcast %add3A_25 : i32 to vector<16xi32>
    %add3A_27 = arith.addi %get3A_2, %add3A_26 : vector<16xi32>
    %add3A_28 = arith.addi %add3A_27, %iota3A : vector<16xi32>
    %swap3A_29 = arith.constant 32 : index
    %swap3A_30 = tpu.vector_load %arg6[%swap3A_29] {strides = array<i32>} : memref<64xi32, #tpu.memory_space<vmem>>, vector<16xi32>,
    %swap3A_31 = vector.shape_cast %swap3A_30 : vector<16xi32> to vector<16xi32>
    %swap3A_32 = vector.shape_cast %add3A_28 : vector<16xi32> to vector<16xi32>
    tpu.vector_store %arg6[%swap3A_29], %swap3A_32 {strides = array<i32>} : memref<64xi32, #tpu.memory_space<vmem>>, vector<16xi32>,
    %add3A_33 = arith.constant 48 : i32
    %add3A_34 = arith.addi %add3A_6, %add3A_33 : i32
    %add3A_35 = vector.broadcast %add3A_34 : i32 to vector<16xi32>
    %add3A_36 = arith.addi %get3A_2, %add3A_35 : vector<16xi32>
    %add3A_37 = arith.addi %add3A_36, %iota3A : vector<16xi32>
    %swap3A_38 = arith.constant 48 : index
    %swap3A_39 = tpu.vector_load %arg6[%swap3A_38] {strides = array<i32>} : memref<64xi32, #tpu.memory_space<vmem>>, vector<16xi32>,
    %swap3A_40 = vector.shape_cast %swap3A_39 : vector<16xi32> to vector<16xi32>
    %swap3A_41 = vector.shape_cast %add3A_37 : vector<16xi32> to vector<16xi32>
    tpu.vector_store %arg6[%swap3A_38], %swap3A_41 {strides = array<i32>} : memref<64xi32, #tpu.memory_space<vmem>>, vector<16xi32>,
    %dma_start3A = arith.constant 0 : i32
    %dma_start3A_42 = arith.constant 0 : i32
    %dma_start3A_43 = tpu.memref_slice %arg3[%dma_start3A, %dma_start3A_42] : memref<8192x1024xf32, #tpu.memory_space<hbm>> -> memref<8192x1024xf32, #tpu.memory_space<hbm>>
    tpu.enqueue_indirect_dma source(%dma_start3A_43 : memref<8192x1024xf32, #tpu.memory_space<hbm>>) target(%arg7 : memref<64x1024xf32, #tpu.memory_space<vmem>>) offsets(%arg6 : memref<64xi32, #tpu.memory_space<vmem>>) semaphore(%arg8 : memref<!tpu.dma_semaphore, #tpu.memory_space<semaphore_mem>>)
    %dma_wait3A = arith.constant 0 : i32
    %dma_wait3A_44 = arith.constant 0 : i32
    %dma_wait3A_45 = tpu.memref_slice %arg3[%dma_wait3A, %dma_wait3A_44] : memref<8192x1024xf32, #tpu.memory_space<hbm>> -> memref<8192x1024xf32, #tpu.memory_space<hbm>>
    tpu.wait_indirect_dma semaphore(%arg8 : memref<!tpu.dma_semaphore, #tpu.memory_space<semaphore_mem>>) src(%dma_wait3A_45 : memref<8192x1024xf32, #tpu.memory_space<hbm>>) dst(%arg7 : memref<64x1024xf32, #tpu.memory_space<vmem>>)
    %run_scoped3A = arith.constant 0 : i32
    "tpu.region"() ({
      %run_scoped3A_199 = tpu.sem_alloc : memref<!tpu.dma_semaphore, #tpu.memory_space<semaphore_mem>>
      %dma_start3A_200 = arith.constant 0 : i32
      %dma_start3A_201 = tpu.memref_slice %arg4[%run_scoped3A, %add3A_6, %dma_start3A_200] : memref<4x8192x1024xf32, #tpu.memory_space<hbm>> -> memref<1x64x1024xf32, #tpu.memory_space<hbm>>
      %dma_start3A_202 = tpu.memref_squeeze %dma_start3A_201 : memref<1x64x1024xf32, #tpu.memory_space<hbm>> -> memref<64x1024xf32, #tpu.memory_space<hbm>>
      %dma_start3A_203 = arith.constant 0 : i32
      %dma_start3A_204 = tpu.memref_slice %arg4[%run_scoped3A, %add3A_6, %dma_start3A_203] : memref<4x8192x1024xf32, #tpu.memory_space<hbm>> -> memref<1x64x1024xf32, #tpu.memory_space<hbm>>
      %dma_start3A_205 = tpu.memref_squeeze %dma_start3A_204 : memref<1x64x1024xf32, #tpu.memory_space<hbm>> -> memref<64x1024xf32, #tpu.memory_space<hbm>>
      tpu.enqueue_dma source(%arg7 : memref<64x1024xf32, #tpu.memory_space<vmem>>) target(%dma_start3A_205 : memref<64x1024xf32, #tpu.memory_space<hbm>>) target_semaphore(%run_scoped3A_199 : memref<!tpu.dma_semaphore, #tpu.memory_space<semaphore_mem>>)
      %dma_wait3A_206 = arith.constant 0 : i32
      %dma_wait3A_207 = tpu.memref_slice %arg4[%run_scoped3A, %add3A_6, %dma_wait3A_206] : memref<4x8192x1024xf32, #tpu.memory_space<hbm>> -> memref<1x64x1024xf32, #tpu.memory_space<hbm>>
      %dma_wait3A_208 = tpu.memref_squeeze %dma_wait3A_207 : memref<1x64x1024xf32, #tpu.memory_space<hbm>> -> memref<64x1024xf32, #tpu.memory_space<hbm>>
      %dma_wait3A_209 = arith.constant 0 : i32
      %dma_wait3A_210 = tpu.memref_slice %arg4[%run_scoped3A, %add3A_6, %dma_wait3A_209] : memref<4x8192x1024xf32, #tpu.memory_space<hbm>> -> memref<1x64x1024xf32, #tpu.memory_space<hbm>>
      %dma_wait3A_211 = tpu.memref_squeeze %dma_wait3A_210 : memref<1x64x1024xf32, #tpu.memory_space<hbm>> -> memref<64x1024xf32, #tpu.memory_space<hbm>>
      tpu.wait_dma2 semaphore(%run_scoped3A_199 : memref<!tpu.dma_semaphore, #tpu.memory_space<semaphore_mem>>) src(%arg7 : memref<64x1024xf32, #tpu.memory_space<vmem>>) dst(%dma_wait3A_211 : memref<64x1024xf32, #tpu.memory_space<hbm>>)
      tpu.yield
    }) : () -> ()
    %run_scoped3A_46 = arith.constant 1 : i32
    "tpu.region"() ({
      %run_scoped3A_199 = tpu.sem_alloc : memref<!tpu.dma_semaphore, #tpu.memory_space<semaphore_mem>>
      %dma_start3A_200 = arith.constant 0 : i32
      %dma_start3A_201 = tpu.memref_slice %arg4[%run_scoped3A_46, %add3A_6, %dma_start3A_200] : memref<4x8192x1024xf32, #tpu.memory_space<hbm>> -> memref<1x64x1024xf32, #tpu.memory_space<hbm>>
      %dma_start3A_202 = tpu.memref_squeeze %dma_start3A_201 : memref<1x64x1024xf32, #tpu.memory_space<hbm>> -> memref<64x1024xf32, #tpu.memory_space<hbm>>
      %dma_start3A_203 = arith.constant 0 : i32
      %dma_start3A_204 = tpu.memref_slice %arg4[%run_scoped3A_46, %add3A_6, %dma_start3A_203] : memref<4x8192x1024xf32, #tpu.memory_space<hbm>> -> memref<1x64x1024xf32, #tpu.memory_space<hbm>>
      %dma_start3A_205 = tpu.memref_squeeze %dma_start3A_204 : memref<1x64x1024xf32, #tpu.memory_space<hbm>> -> memref<64x1024xf32, #tpu.memory_space<hbm>>
      tpu.enqueue_dma source(%arg7 : memref<64x1024xf32, #tpu.memory_space<vmem>>) target(%dma_start3A_205 : memref<64x1024xf32, #tpu.memory_space<hbm>>) target_semaphore(%run_scoped3A_199 : memref<!tpu.dma_semaphore, #tpu.memory_space<semaphore_mem>>)
      %dma_wait3A_206 = arith.constant 0 : i32
      %dma_wait3A_207 = tpu.memref_slice %arg4[%run_scoped3A_46, %add3A_6, %dma_wait3A_206] : memref<4x8192x1024xf32, #tpu.memory_space<hbm>> -> memref<1x64x1024xf32, #tpu.memory_space<hbm>>
      %dma_wait3A_208 = tpu.memref_squeeze %dma_wait3A_207 : memref<1x64x1024xf32, #tpu.memory_space<hbm>> -> memref<64x1024xf32, #tpu.memory_space<hbm>>
      %dma_wait3A_209 = arith.constant 0 : i32
      %dma_wait3A_210 = tpu.memref_slice %arg4[%run_scoped3A_46, %add3A_6, %dma_wait3A_209] : memref<4x8192x1024xf32, #tpu.memory_space<hbm>> -> memref<1x64x1024xf32, #tpu.memory_space<hbm>>
      %dma_wait3A_211 = tpu.memref_squeeze %dma_wait3A_210 : memref<1x64x1024xf32, #tpu.memory_space<hbm>> -> memref<64x1024xf32, #tpu.memory_space<hbm>>
      tpu.wait_dma2 semaphore(%run_scoped3A_199 : memref<!tpu.dma_semaphore, #tpu.memory_space<semaphore_mem>>) src(%arg7 : memref<64x1024xf32, #tpu.memory_space<vmem>>) dst(%dma_wait3A_211 : memref<64x1024xf32, #tpu.memory_space<hbm>>)
      tpu.yield
    }) : () -> ()
    %run_scoped3A_47 = arith.constant 2 : i32
    "tpu.region"() ({
      %run_scoped3A_199 = tpu.sem_alloc : memref<!tpu.dma_semaphore, #tpu.memory_space<semaphore_mem>>
      %dma_start3A_200 = arith.constant 0 : i32
      %dma_start3A_201 = tpu.memref_slice %arg4[%run_scoped3A_47, %add3A_6, %dma_start3A_200] : memref<4x8192x1024xf32, #tpu.memory_space<hbm>> -> memref<1x64x1024xf32, #tpu.memory_space<hbm>>
      %dma_start3A_202 = tpu.memref_squeeze %dma_start3A_201 : memref<1x64x1024xf32, #tpu.memory_space<hbm>> -> memref<64x1024xf32, #tpu.memory_space<hbm>>
      %dma_start3A_203 = arith.constant 0 : i32
      %dma_start3A_204 = tpu.memref_slice %arg4[%run_scoped3A_47, %add3A_6, %dma_start3A_203] : memref<4x8192x1024xf32, #tpu.memory_space<hbm>> -> memref<1x64x1024xf32, #tpu.memory_space<hbm>>
      %dma_start3A_205 = tpu.memref_squeeze %dma_start3A_204 : memref<1x64x1024xf32, #tpu.memory_space<hbm>> -> memref<64x1024xf32, #tpu.memory_space<hbm>>
      tpu.enqueue_dma source(%arg7 : memref<64x1024xf32, #tpu.memory_space<vmem>>) target(%dma_start3A_205 : memref<64x1024xf32, #tpu.memory_space<hbm>>) target_semaphore(%run_scoped3A_199 : memref<!tpu.dma_semaphore, #tpu.memory_space<semaphore_mem>>)
      %dma_wait3A_206 = arith.constant 0 : i32
      %dma_wait3A_207 = tpu.memref_slice %arg4[%run_scoped3A_47, %add3A_6, %dma_wait3A_206] : memref<4x8192x1024xf32, #tpu.memory_space<hbm>> -> memref<1x64x1024xf32, #tpu.memory_space<hbm>>
      %dma_wait3A_208 = tpu.memref_squeeze %dma_wait3A_207 : memref<1x64x1024xf32, #tpu.memory_space<hbm>> -> memref<64x1024xf32, #tpu.memory_space<hbm>>
      %dma_wait3A_209 = arith.constant 0 : i32
      %dma_wait3A_210 = tpu.memref_slice %arg4[%run_scoped3A_47, %add3A_6, %dma_wait3A_209] : memref<4x8192x1024xf32, #tpu.memory_space<hbm>> -> memref<1x64x1024xf32, #tpu.memory_space<hbm>>
      %dma_wait3A_211 = tpu.memref_squeeze %dma_wait3A_210 : memref<1x64x1024xf32, #tpu.memory_space<hbm>> -> memref<64x1024xf32, #tpu.memory_space<hbm>>
      tpu.wait_dma2 semaphore(%run_scoped3A_199 : memref<!tpu.dma_semaphore, #tpu.memory_space<semaphore_mem>>) src(%arg7 : memref<64x1024xf32, #tpu.memory_space<vmem>>) dst(%dma_wait3A_211 : memref<64x1024xf32, #tpu.memory_space<hbm>>)
      tpu.yield
    }) : () -> ()
    %run_scoped3A_48 = arith.constant 3 : i32
    "tpu.region"() ({
      %run_scoped3A_199 = tpu.sem_alloc : memref<!tpu.dma_semaphore, #tpu.memory_space<semaphore_mem>>
      %dma_start3A_200 = arith.constant 0 : i32
      %dma_start3A_201 = tpu.memref_slice %arg4[%run_scoped3A_48, %add3A_6, %dma_start3A_200] : memref<4x8192x1024xf32, #tpu.memory_space<hbm>> -> memref<1x64x1024xf32, #tpu.memory_space<hbm>>
      %dma_start3A_202 = tpu.memref_squeeze %dma_start3A_201 : memref<1x64x1024xf32, #tpu.memory_space<hbm>> -> memref<64x1024xf32, #tpu.memory_space<hbm>>
      %dma_start3A_203 = arith.constant 0 : i32
      %dma_start3A_204 = tpu.memref_slice %arg4[%run_scoped3A_48, %add3A_6, %dma_start3A_203] : memref<4x8192x1024xf32, #tpu.memory_space<hbm>> -> memref<1x64x1024xf32, #tpu.memory_space<hbm>>
      %dma_start3A_205 = tpu.memref_squeeze %dma_start3A_204 : memref<1x64x1024xf32, #tpu.memory_space<hbm>> -> memref<64x1024xf32, #tpu.memory_space<hbm>>
      tpu.enqueue_dma source(%arg7 : memref<64x1024xf32, #tpu.memory_space<vmem>>) target(%dma_start3A_205 : memref<64x1024xf32, #tpu.memory_space<hbm>>) target_semaphore(%run_scoped3A_199 : memref<!tpu.dma_semaphore, #tpu.memory_space<semaphore_mem>>)
      %dma_wait3A_206 = arith.constant 0 : i32
      %dma_wait3A_207 = tpu.memref_slice %arg4[%run_scoped3A_48, %add3A_6, %dma_wait3A_206] : memref<4x8192x1024xf32, #tpu.memory_space<hbm>> -> memref<1x64x1024xf32, #tpu.memory_space<hbm>>
      %dma_wait3A_208 = tpu.memref_squeeze %dma_wait3A_207 : memref<1x64x1024xf32, #tpu.memory_space<hbm>> -> memref<64x1024xf32, #tpu.memory_space<hbm>>
      %dma_wait3A_209 = arith.constant 0 : i32
      %dma_wait3A_210 = tpu.memref_slice %arg4[%run_scoped3A_48, %add3A_6, %dma_wait3A_209] : memref<4x8192x1024xf32, #tpu.memory_space<hbm>> -> memref<1x64x1024xf32, #tpu.memory_space<hbm>>
      %dma_wait3A_211 = tpu.memref_squeeze %dma_wait3A_210 : memref<1x64x1024xf32, #tpu.memory_space<hbm>> -> memref<64x1024xf32, #tpu.memory_space<hbm>>
      tpu.wait_dma2 semaphore(%run_scoped3A_199 : memref<!tpu.dma_semaphore, #tpu.memory_space<semaphore_mem>>) src(%arg7 : memref<64x1024xf32, #tpu.memory_space<vmem>>) dst(%dma_wait3A_211 : memref<64x1024xf32, #tpu.memory_space<hbm>>)
      tpu.yield
    }) : () -> ()
    %mul3A_49 = arith.constant 256 : i32
    %mul3A_50 = arith.muli %add3A, %mul3A_49 : i32
    %add3A_51 = arith.constant 64 : i32
    %add3A_52 = arith.addi %mul3A_50, %add3A_51 : i32
    %add3A_53 = arith.constant 0 : i32
    %add3A_54 = arith.addi %add3A_52, %add3A_53 : i32
    %add3A_55 = vector.broadcast %add3A_54 : i32 to vector<16xi32>
    %add3A_56 = arith.addi %get3A_2, %add3A_55 : vector<16xi32>
    %add3A_57 = arith.addi %add3A_56, %iota3A : vector<16xi32>
    %swap3A_58 = arith.constant 0 : index
    %swap3A_59 = tpu.vector_load %arg6[%swap3A_58] {strides = array<i32>} : memref<64xi32, #tpu.memory_space<vmem>>, vector<16xi32>,
    %swap3A_60 = vector.shape_cast %swap3A_59 : vector<16xi32> to vector<16xi32>
    %swap3A_61 = vector.shape_cast %add3A_57 : vector<16xi32> to vector<16xi32>
    tpu.vector_store %arg6[%swap3A_58], %swap3A_61 {strides = array<i32>} : memref<64xi32, #tpu.memory_space<vmem>>, vector<16xi32>,
    %add3A_62 = arith.constant 16 : i32
    %add3A_63 = arith.addi %add3A_52, %add3A_62 : i32
    %add3A_64 = vector.broadcast %add3A_63 : i32 to vector<16xi32>
    %add3A_65 = arith.addi %get3A_2, %add3A_64 : vector<16xi32>
    %add3A_66 = arith.addi %add3A_65, %iota3A : vector<16xi32>
    %swap3A_67 = arith.constant 16 : index
    %swap3A_68 = tpu.vector_load %arg6[%swap3A_67] {strides = array<i32>} : memref<64xi32, #tpu.memory_space<vmem>>, vector<16xi32>,
    %swap3A_69 = vector.shape_cast %swap3A_68 : vector<16xi32> to vector<16xi32>
    %swap3A_70 = vector.shape_cast %add3A_66 : vector<16xi32> to vector<16xi32>
    tpu.vector_store %arg6[%swap3A_67], %swap3A_70 {strides = array<i32>} : memref<64xi32, #tpu.memory_space<vmem>>, vector<16xi32>,
    %add3A_71 = arith.constant 32 : i32
    %add3A_72 = arith.addi %add3A_52, %add3A_71 : i32
    %add3A_73 = vector.broadcast %add3A_72 : i32 to vector<16xi32>
    %add3A_74 = arith.addi %get3A_2, %add3A_73 : vector<16xi32>
    %add3A_75 = arith.addi %add3A_74, %iota3A : vector<16xi32>
    %swap3A_76 = arith.constant 32 : index
    %swap3A_77 = tpu.vector_load %arg6[%swap3A_76] {strides = array<i32>} : memref<64xi32, #tpu.memory_space<vmem>>, vector<16xi32>,
    %swap3A_78 = vector.shape_cast %swap3A_77 : vector<16xi32> to vector<16xi32>
    %swap3A_79 = vector.shape_cast %add3A_75 : vector<16xi32> to vector<16xi32>
    tpu.vector_store %arg6[%swap3A_76], %swap3A_79 {strides = array<i32>} : memref<64xi32, #tpu.memory_space<vmem>>, vector<16xi32>,
    %add3A_80 = arith.constant 48 : i32
    %add3A_81 = arith.addi %add3A_52, %add3A_80 : i32
    %add3A_82 = vector.broadcast %add3A_81 : i32 to vector<16xi32>
    %add3A_83 = arith.addi %get3A_2, %add3A_82 : vector<16xi32>
    %add3A_84 = arith.addi %add3A_83, %iota3A : vector<16xi32>
    %swap3A_85 = arith.constant 48 : index
    %swap3A_86 = tpu.vector_load %arg6[%swap3A_85] {strides = array<i32>} : memref<64xi32, #tpu.memory_space<vmem>>, vector<16xi32>,
    %swap3A_87 = vector.shape_cast %swap3A_86 : vector<16xi32> to vector<16xi32>
    %swap3A_88 = vector.shape_cast %add3A_84 : vector<16xi32> to vector<16xi32>
    tpu.vector_store %arg6[%swap3A_85], %swap3A_88 {strides = array<i32>} : memref<64xi32, #tpu.memory_space<vmem>>, vector<16xi32>,
    %dma_start3A_89 = arith.constant 0 : i32
    %dma_start3A_90 = arith.constant 0 : i32
    %dma_start3A_91 = tpu.memref_slice %arg3[%dma_start3A_89, %dma_start3A_90] : memref<8192x1024xf32, #tpu.memory_space<hbm>> -> memref<8192x1024xf32, #tpu.memory_space<hbm>>
    tpu.enqueue_indirect_dma source(%dma_start3A_91 : memref<8192x1024xf32, #tpu.memory_space<hbm>>) target(%arg7 : memref<64x1024xf32, #tpu.memory_space<vmem>>) offsets(%arg6 : memref<64xi32, #tpu.memory_space<vmem>>) semaphore(%arg8 : memref<!tpu.dma_semaphore, #tpu.memory_space<semaphore_mem>>)
    %dma_wait3A_92 = arith.constant 0 : i32
    %dma_wait3A_93 = arith.constant 0 : i32
    %dma_wait3A_94 = tpu.memref_slice %arg3[%dma_wait3A_92, %dma_wait3A_93] : memref<8192x1024xf32, #tpu.memory_space<hbm>> -> memref<8192x1024xf32, #tpu.memory_space<hbm>>
    tpu.wait_indirect_dma semaphore(%arg8 : memref<!tpu.dma_semaphore, #tpu.memory_space<semaphore_mem>>) src(%dma_wait3A_94 : memref<8192x1024xf32, #tpu.memory_space<hbm>>) dst(%arg7 : memref<64x1024xf32, #tpu.memory_space<vmem>>)
    %run_scoped3A_95 = arith.constant 0 : i32
    "tpu.region"() ({
      %run_scoped3A_199 = tpu.sem_alloc : memref<!tpu.dma_semaphore, #tpu.memory_space<semaphore_mem>>
      %dma_start3A_200 = arith.constant 0 : i32
      %dma_start3A_201 = tpu.memref_slice %arg4[%run_scoped3A_95, %add3A_52, %dma_start3A_200] : memref<4x8192x1024xf32, #tpu.memory_space<hbm>> -> memref<1x64x1024xf32, #tpu.memory_space<hbm>>
      %dma_start3A_202 = tpu.memref_squeeze %dma_start3A_201 : memref<1x64x1024xf32, #tpu.memory_space<hbm>> -> memref<64x1024xf32, #tpu.memory_space<hbm>>
      %dma_start3A_203 = arith.constant 0 : i32
      %dma_start3A_204 = tpu.memref_slice %arg4[%run_scoped3A_95, %add3A_52, %dma_start3A_203] : memref<4x8192x1024xf32, #tpu.memory_space<hbm>> -> memref<1x64x1024xf32, #tpu.memory_space<hbm>>
      %dma_start3A_205 = tpu.memref_squeeze %dma_start3A_204 : memref<1x64x1024xf32, #tpu.memory_space<hbm>> -> memref<64x1024xf32, #tpu.memory_space<hbm>>
      tpu.enqueue_dma source(%arg7 : memref<64x1024xf32, #tpu.memory_space<vmem>>) target(%dma_start3A_205 : memref<64x1024xf32, #tpu.memory_space<hbm>>) target_semaphore(%run_scoped3A_199 : memref<!tpu.dma_semaphore, #tpu.memory_space<semaphore_mem>>)
      %dma_wait3A_206 = arith.constant 0 : i32
      %dma_wait3A_207 = tpu.memref_slice %arg4[%run_scoped3A_95, %add3A_52, %dma_wait3A_206] : memref<4x8192x1024xf32, #tpu.memory_space<hbm>> -> memref<1x64x1024xf32, #tpu.memory_space<hbm>>
      %dma_wait3A_208 = tpu.memref_squeeze %dma_wait3A_207 : memref<1x64x1024xf32, #tpu.memory_space<hbm>> -> memref<64x1024xf32, #tpu.memory_space<hbm>>
      %dma_wait3A_209 = arith.constant 0 : i32
      %dma_wait3A_210 = tpu.memref_slice %arg4[%run_scoped3A_95, %add3A_52, %dma_wait3A_209] : memref<4x8192x1024xf32, #tpu.memory_space<hbm>> -> memref<1x64x1024xf32, #tpu.memory_space<hbm>>
      %dma_wait3A_211 = tpu.memref_squeeze %dma_wait3A_210 : memref<1x64x1024xf32, #tpu.memory_space<hbm>> -> memref<64x1024xf32, #tpu.memory_space<hbm>>
      tpu.wait_dma2 semaphore(%run_scoped3A_199 : memref<!tpu.dma_semaphore, #tpu.memory_space<semaphore_mem>>) src(%arg7 : memref<64x1024xf32, #tpu.memory_space<vmem>>) dst(%dma_wait3A_211 : memref<64x1024xf32, #tpu.memory_space<hbm>>)
      tpu.yield
    }) : () -> ()
    %run_scoped3A_96 = arith.constant 1 : i32
    "tpu.region"() ({
      %run_scoped3A_199 = tpu.sem_alloc : memref<!tpu.dma_semaphore, #tpu.memory_space<semaphore_mem>>
      %dma_start3A_200 = arith.constant 0 : i32
      %dma_start3A_201 = tpu.memref_slice %arg4[%run_scoped3A_96, %add3A_52, %dma_start3A_200] : memref<4x8192x1024xf32, #tpu.memory_space<hbm>> -> memref<1x64x1024xf32, #tpu.memory_space<hbm>>
      %dma_start3A_202 = tpu.memref_squeeze %dma_start3A_201 : memref<1x64x1024xf32, #tpu.memory_space<hbm>> -> memref<64x1024xf32, #tpu.memory_space<hbm>>
      %dma_start3A_203 = arith.constant 0 : i32
      %dma_start3A_204 = tpu.memref_slice %arg4[%run_scoped3A_96, %add3A_52, %dma_start3A_203] : memref<4x8192x1024xf32, #tpu.memory_space<hbm>> -> memref<1x64x1024xf32, #tpu.memory_space<hbm>>
      %dma_start3A_205 = tpu.memref_squeeze %dma_start3A_204 : memref<1x64x1024xf32, #tpu.memory_space<hbm>> -> memref<64x1024xf32, #tpu.memory_space<hbm>>
      tpu.enqueue_dma source(%arg7 : memref<64x1024xf32, #tpu.memory_space<vmem>>) target(%dma_start3A_205 : memref<64x1024xf32, #tpu.memory_space<hbm>>) target_semaphore(%run_scoped3A_199 : memref<!tpu.dma_semaphore, #tpu.memory_space<semaphore_mem>>)
      %dma_wait3A_206 = arith.constant 0 : i32
      %dma_wait3A_207 = tpu.memref_slice %arg4[%run_scoped3A_96, %add3A_52, %dma_wait3A_206] : memref<4x8192x1024xf32, #tpu.memory_space<hbm>> -> memref<1x64x1024xf32, #tpu.memory_space<hbm>>
      %dma_wait3A_208 = tpu.memref_squeeze %dma_wait3A_207 : memref<1x64x1024xf32, #tpu.memory_space<hbm>> -> memref<64x1024xf32, #tpu.memory_space<hbm>>
      %dma_wait3A_209 = arith.constant 0 : i32
      %dma_wait3A_210 = tpu.memref_slice %arg4[%run_scoped3A_96, %add3A_52, %dma_wait3A_209] : memref<4x8192x1024xf32, #tpu.memory_space<hbm>> -> memref<1x64x1024xf32, #tpu.memory_space<hbm>>
      %dma_wait3A_211 = tpu.memref_squeeze %dma_wait3A_210 : memref<1x64x1024xf32, #tpu.memory_space<hbm>> -> memref<64x1024xf32, #tpu.memory_space<hbm>>
      tpu.wait_dma2 semaphore(%run_scoped3A_199 : memref<!tpu.dma_semaphore, #tpu.memory_space<semaphore_mem>>) src(%arg7 : memref<64x1024xf32, #tpu.memory_space<vmem>>) dst(%dma_wait3A_211 : memref<64x1024xf32, #tpu.memory_space<hbm>>)
      tpu.yield
    }) : () -> ()
    %run_scoped3A_97 = arith.constant 2 : i32
    "tpu.region"() ({
      %run_scoped3A_199 = tpu.sem_alloc : memref<!tpu.dma_semaphore, #tpu.memory_space<semaphore_mem>>
      %dma_start3A_200 = arith.constant 0 : i32
      %dma_start3A_201 = tpu.memref_slice %arg4[%run_scoped3A_97, %add3A_52, %dma_start3A_200] : memref<4x8192x1024xf32, #tpu.memory_space<hbm>> -> memref<1x64x1024xf32, #tpu.memory_space<hbm>>
      %dma_start3A_202 = tpu.memref_squeeze %dma_start3A_201 : memref<1x64x1024xf32, #tpu.memory_space<hbm>> -> memref<64x1024xf32, #tpu.memory_space<hbm>>
      %dma_start3A_203 = arith.constant 0 : i32
      %dma_start3A_204 = tpu.memref_slice %arg4[%run_scoped3A_97, %add3A_52, %dma_start3A_203] : memref<4x8192x1024xf32, #tpu.memory_space<hbm>> -> memref<1x64x1024xf32, #tpu.memory_space<hbm>>
      %dma_start3A_205 = tpu.memref_squeeze %dma_start3A_204 : memref<1x64x1024xf32, #tpu.memory_space<hbm>> -> memref<64x1024xf32, #tpu.memory_space<hbm>>
      tpu.enqueue_dma source(%arg7 : memref<64x1024xf32, #tpu.memory_space<vmem>>) target(%dma_start3A_205 : memref<64x1024xf32, #tpu.memory_space<hbm>>) target_semaphore(%run_scoped3A_199 : memref<!tpu.dma_semaphore, #tpu.memory_space<semaphore_mem>>)
      %dma_wait3A_206 = arith.constant 0 : i32
      %dma_wait3A_207 = tpu.memref_slice %arg4[%run_scoped3A_97, %add3A_52, %dma_wait3A_206] : memref<4x8192x1024xf32, #tpu.memory_space<hbm>> -> memref<1x64x1024xf32, #tpu.memory_space<hbm>>
      %dma_wait3A_208 = tpu.memref_squeeze %dma_wait3A_207 : memref<1x64x1024xf32, #tpu.memory_space<hbm>> -> memref<64x1024xf32, #tpu.memory_space<hbm>>
      %dma_wait3A_209 = arith.constant 0 : i32
      %dma_wait3A_210 = tpu.memref_slice %arg4[%run_scoped3A_97, %add3A_52, %dma_wait3A_209] : memref<4x8192x1024xf32, #tpu.memory_space<hbm>> -> memref<1x64x1024xf32, #tpu.memory_space<hbm>>
      %dma_wait3A_211 = tpu.memref_squeeze %dma_wait3A_210 : memref<1x64x1024xf32, #tpu.memory_space<hbm>> -> memref<64x1024xf32, #tpu.memory_space<hbm>>
      tpu.wait_dma2 semaphore(%run_scoped3A_199 : memref<!tpu.dma_semaphore, #tpu.memory_space<semaphore_mem>>) src(%arg7 : memref<64x1024xf32, #tpu.memory_space<vmem>>) dst(%dma_wait3A_211 : memref<64x1024xf32, #tpu.memory_space<hbm>>)
      tpu.yield
    }) : () -> ()
    %run_scoped3A_98 = arith.constant 3 : i32
    "tpu.region"() ({
      %run_scoped3A_199 = tpu.sem_alloc : memref<!tpu.dma_semaphore, #tpu.memory_space<semaphore_mem>>
      %dma_start3A_200 = arith.constant 0 : i32
      %dma_start3A_201 = tpu.memref_slice %arg4[%run_scoped3A_98, %add3A_52, %dma_start3A_200] : memref<4x8192x1024xf32, #tpu.memory_space<hbm>> -> memref<1x64x1024xf32, #tpu.memory_space<hbm>>
      %dma_start3A_202 = tpu.memref_squeeze %dma_start3A_201 : memref<1x64x1024xf32, #tpu.memory_space<hbm>> -> memref<64x1024xf32, #tpu.memory_space<hbm>>
      %dma_start3A_203 = arith.constant 0 : i32
      %dma_start3A_204 = tpu.memref_slice %arg4[%run_scoped3A_98, %add3A_52, %dma_start3A_203] : memref<4x8192x1024xf32, #tpu.memory_space<hbm>> -> memref<1x64x1024xf32, #tpu.memory_space<hbm>>
      %dma_start3A_205 = tpu.memref_squeeze %dma_start3A_204 : memref<1x64x1024xf32, #tpu.memory_space<hbm>> -> memref<64x1024xf32, #tpu.memory_space<hbm>>
      tpu.enqueue_dma source(%arg7 : memref<64x1024xf32, #tpu.memory_space<vmem>>) target(%dma_start3A_205 : memref<64x1024xf32, #tpu.memory_space<hbm>>) target_semaphore(%run_scoped3A_199 : memref<!tpu.dma_semaphore, #tpu.memory_space<semaphore_mem>>)
      %dma_wait3A_206 = arith.constant 0 : i32
      %dma_wait3A_207 = tpu.memref_slice %arg4[%run_scoped3A_98, %add3A_52, %dma_wait3A_206] : memref<4x8192x1024xf32, #tpu.memory_space<hbm>> -> memref<1x64x1024xf32, #tpu.memory_space<hbm>>
      %dma_wait3A_208 = tpu.memref_squeeze %dma_wait3A_207 : memref<1x64x1024xf32, #tpu.memory_space<hbm>> -> memref<64x1024xf32, #tpu.memory_space<hbm>>
      %dma_wait3A_209 = arith.constant 0 : i32
      %dma_wait3A_210 = tpu.memref_slice %arg4[%run_scoped3A_98, %add3A_52, %dma_wait3A_209] : memref<4x8192x1024xf32, #tpu.memory_space<hbm>> -> memref<1x64x1024xf32, #tpu.memory_space<hbm>>
      %dma_wait3A_211 = tpu.memref_squeeze %dma_wait3A_210 : memref<1x64x1024xf32, #tpu.memory_space<hbm>> -> memref<64x1024xf32, #tpu.memory_space<hbm>>
      tpu.wait_dma2 semaphore(%run_scoped3A_199 : memref<!tpu.dma_semaphore, #tpu.memory_space<semaphore_mem>>) src(%arg7 : memref<64x1024xf32, #tpu.memory_space<vmem>>) dst(%dma_wait3A_211 : memref<64x1024xf32, #tpu.memory_space<hbm>>)
      tpu.yield
    }) : () -> ()
    %mul3A_99 = arith.constant 256 : i32
    %mul3A_100 = arith.muli %add3A, %mul3A_99 : i32
    %add3A_101 = arith.constant 128 : i32
    %add3A_102 = arith.addi %mul3A_100, %add3A_101 : i32
    %add3A_103 = arith.constant 0 : i32
    %add3A_104 = arith.addi %add3A_102, %add3A_103 : i32
    %add3A_105 = vector.broadcast %add3A_104 : i32 to vector<16xi32>
    %add3A_106 = arith.addi %get3A_2, %add3A_105 : vector<16xi32>
    %add3A_107 = arith.addi %add3A_106, %iota3A : vector<16xi32>
    %swap3A_108 = arith.constant 0 : index
    %swap3A_109 = tpu.vector_load %arg6[%swap3A_108] {strides = array<i32>} : memref<64xi32, #tpu.memory_space<vmem>>, vector<16xi32>,
    %swap3A_110 = vector.shape_cast %swap3A_109 : vector<16xi32> to vector<16xi32>
    %swap3A_111 = vector.shape_cast %add3A_107 : vector<16xi32> to vector<16xi32>
    tpu.vector_store %arg6[%swap3A_108], %swap3A_111 {strides = array<i32>} : memref<64xi32, #tpu.memory_space<vmem>>, vector<16xi32>,
    %add3A_112 = arith.constant 16 : i32
    %add3A_113 = arith.addi %add3A_102, %add3A_112 : i32
    %add3A_114 = vector.broadcast %add3A_113 : i32 to vector<16xi32>
    %add3A_115 = arith.addi %get3A_2, %add3A_114 : vector<16xi32>
    %add3A_116 = arith.addi %add3A_115, %iota3A : vector<16xi32>
    %swap3A_117 = arith.constant 16 : index
    %swap3A_118 = tpu.vector_load %arg6[%swap3A_117] {strides = array<i32>} : memref<64xi32, #tpu.memory_space<vmem>>, vector<16xi32>,
    %swap3A_119 = vector.shape_cast %swap3A_118 : vector<16xi32> to vector<16xi32>
    %swap3A_120 = vector.shape_cast %add3A_116 : vector<16xi32> to vector<16xi32>
    tpu.vector_store %arg6[%swap3A_117], %swap3A_120 {strides = array<i32>} : memref<64xi32, #tpu.memory_space<vmem>>, vector<16xi32>,
    %add3A_121 = arith.constant 32 : i32
    %add3A_122 = arith.addi %add3A_102, %add3A_121 : i32
    %add3A_123 = vector.broadcast %add3A_122 : i32 to vector<16xi32>
    %add3A_124 = arith.addi %get3A_2, %add3A_123 : vector<16xi32>
    %add3A_125 = arith.addi %add3A_124, %iota3A : vector<16xi32>
    %swap3A_126 = arith.constant 32 : index
    %swap3A_127 = tpu.vector_load %arg6[%swap3A_126] {strides = array<i32>} : memref<64xi32, #tpu.memory_space<vmem>>, vector<16xi32>,
    %swap3A_128 = vector.shape_cast %swap3A_127 : vector<16xi32> to vector<16xi32>
    %swap3A_129 = vector.shape_cast %add3A_125 : vector<16xi32> to vector<16xi32>
    tpu.vector_store %arg6[%swap3A_126], %swap3A_129 {strides = array<i32>} : memref<64xi32, #tpu.memory_space<vmem>>, vector<16xi32>,
    %add3A_130 = arith.constant 48 : i32
    %add3A_131 = arith.addi %add3A_102, %add3A_130 : i32
    %add3A_132 = vector.broadcast %add3A_131 : i32 to vector<16xi32>
    %add3A_133 = arith.addi %get3A_2, %add3A_132 : vector<16xi32>
    %add3A_134 = arith.addi %add3A_133, %iota3A : vector<16xi32>
    %swap3A_135 = arith.constant 48 : index
    %swap3A_136 = tpu.vector_load %arg6[%swap3A_135] {strides = array<i32>} : memref<64xi32, #tpu.memory_space<vmem>>, vector<16xi32>,
    %swap3A_137 = vector.shape_cast %swap3A_136 : vector<16xi32> to vector<16xi32>
    %swap3A_138 = vector.shape_cast %add3A_134 : vector<16xi32> to vector<16xi32>
    tpu.vector_store %arg6[%swap3A_135], %swap3A_138 {strides = array<i32>} : memref<64xi32, #tpu.memory_space<vmem>>, vector<16xi32>,
    %dma_start3A_139 = arith.constant 0 : i32
    %dma_start3A_140 = arith.constant 0 : i32
    %dma_start3A_141 = tpu.memref_slice %arg3[%dma_start3A_139, %dma_start3A_140] : memref<8192x1024xf32, #tpu.memory_space<hbm>> -> memref<8192x1024xf32, #tpu.memory_space<hbm>>
    tpu.enqueue_indirect_dma source(%dma_start3A_141 : memref<8192x1024xf32, #tpu.memory_space<hbm>>) target(%arg7 : memref<64x1024xf32, #tpu.memory_space<vmem>>) offsets(%arg6 : memref<64xi32, #tpu.memory_space<vmem>>) semaphore(%arg8 : memref<!tpu.dma_semaphore, #tpu.memory_space<semaphore_mem>>)
    %dma_wait3A_142 = arith.constant 0 : i32
    %dma_wait3A_143 = arith.constant 0 : i32
    %dma_wait3A_144 = tpu.memref_slice %arg3[%dma_wait3A_142, %dma_wait3A_143] : memref<8192x1024xf32, #tpu.memory_space<hbm>> -> memref<8192x1024xf32, #tpu.memory_space<hbm>>
    tpu.wait_indirect_dma semaphore(%arg8 : memref<!tpu.dma_semaphore, #tpu.memory_space<semaphore_mem>>) src(%dma_wait3A_144 : memref<8192x1024xf32, #tpu.memory_space<hbm>>) dst(%arg7 : memref<64x1024xf32, #tpu.memory_space<vmem>>)
    %run_scoped3A_145 = arith.constant 0 : i32
    "tpu.region"() ({
      %run_scoped3A_199 = tpu.sem_alloc : memref<!tpu.dma_semaphore, #tpu.memory_space<semaphore_mem>>
      %dma_start3A_200 = arith.constant 0 : i32
      %dma_start3A_201 = tpu.memref_slice %arg4[%run_scoped3A_145, %add3A_102, %dma_start3A_200] : memref<4x8192x1024xf32, #tpu.memory_space<hbm>> -> memref<1x64x1024xf32, #tpu.memory_space<hbm>>
      %dma_start3A_202 = tpu.memref_squeeze %dma_start3A_201 : memref<1x64x1024xf32, #tpu.memory_space<hbm>> -> memref<64x1024xf32, #tpu.memory_space<hbm>>
      %dma_start3A_203 = arith.constant 0 : i32
      %dma_start3A_204 = tpu.memref_slice %arg4[%run_scoped3A_145, %add3A_102, %dma_start3A_203] : memref<4x8192x1024xf32, #tpu.memory_space<hbm>> -> memref<1x64x1024xf32, #tpu.memory_space<hbm>>
      %dma_start3A_205 = tpu.memref_squeeze %dma_start3A_204 : memref<1x64x1024xf32, #tpu.memory_space<hbm>> -> memref<64x1024xf32, #tpu.memory_space<hbm>>
      tpu.enqueue_dma source(%arg7 : memref<64x1024xf32, #tpu.memory_space<vmem>>) target(%dma_start3A_205 : memref<64x1024xf32, #tpu.memory_space<hbm>>) target_semaphore(%run_scoped3A_199 : memref<!tpu.dma_semaphore, #tpu.memory_space<semaphore_mem>>)
      %dma_wait3A_206 = arith.constant 0 : i32
      %dma_wait3A_207 = tpu.memref_slice %arg4[%run_scoped3A_145, %add3A_102, %dma_wait3A_206] : memref<4x8192x1024xf32, #tpu.memory_space<hbm>> -> memref<1x64x1024xf32, #tpu.memory_space<hbm>>
      %dma_wait3A_208 = tpu.memref_squeeze %dma_wait3A_207 : memref<1x64x1024xf32, #tpu.memory_space<hbm>> -> memref<64x1024xf32, #tpu.memory_space<hbm>>
      %dma_wait3A_209 = arith.constant 0 : i32
      %dma_wait3A_210 = tpu.memref_slice %arg4[%run_scoped3A_145, %add3A_102, %dma_wait3A_209] : memref<4x8192x1024xf32, #tpu.memory_space<hbm>> -> memref<1x64x1024xf32, #tpu.memory_space<hbm>>
      %dma_wait3A_211 = tpu.memref_squeeze %dma_wait3A_210 : memref<1x64x1024xf32, #tpu.memory_space<hbm>> -> memref<64x1024xf32, #tpu.memory_space<hbm>>
      tpu.wait_dma2 semaphore(%run_scoped3A_199 : memref<!tpu.dma_semaphore, #tpu.memory_space<semaphore_mem>>) src(%arg7 : memref<64x1024xf32, #tpu.memory_space<vmem>>) dst(%dma_wait3A_211 : memref<64x1024xf32, #tpu.memory_space<hbm>>)
      tpu.yield
    }) : () -> ()
    %run_scoped3A_146 = arith.constant 1 : i32
    "tpu.region"() ({
      %run_scoped3A_199 = tpu.sem_alloc : memref<!tpu.dma_semaphore, #tpu.memory_space<semaphore_mem>>
      %dma_start3A_200 = arith.constant 0 : i32
      %dma_start3A_201 = tpu.memref_slice %arg4[%run_scoped3A_146, %add3A_102, %dma_start3A_200] : memref<4x8192x1024xf32, #tpu.memory_space<hbm>> -> memref<1x64x1024xf32, #tpu.memory_space<hbm>>
      %dma_start3A_202 = tpu.memref_squeeze %dma_start3A_201 : memref<1x64x1024xf32, #tpu.memory_space<hbm>> -> memref<64x1024xf32, #tpu.memory_space<hbm>>
      %dma_start3A_203 = arith.constant 0 : i32
      %dma_start3A_204 = tpu.memref_slice %arg4[%run_scoped3A_146, %add3A_102, %dma_start3A_203] : memref<4x8192x1024xf32, #tpu.memory_space<hbm>> -> memref<1x64x1024xf32, #tpu.memory_space<hbm>>
      %dma_start3A_205 = tpu.memref_squeeze %dma_start3A_204 : memref<1x64x1024xf32, #tpu.memory_space<hbm>> -> memref<64x1024xf32, #tpu.memory_space<hbm>>
      tpu.enqueue_dma source(%arg7 : memref<64x1024xf32, #tpu.memory_space<vmem>>) target(%dma_start3A_205 : memref<64x1024xf32, #tpu.memory_space<hbm>>) target_semaphore(%run_scoped3A_199 : memref<!tpu.dma_semaphore, #tpu.memory_space<semaphore_mem>>)
      %dma_wait3A_206 = arith.constant 0 : i32
      %dma_wait3A_207 = tpu.memref_slice %arg4[%run_scoped3A_146, %add3A_102, %dma_wait3A_206] : memref<4x8192x1024xf32, #tpu.memory_space<hbm>> -> memref<1x64x1024xf32, #tpu.memory_space<hbm>>
      %dma_wait3A_208 = tpu.memref_squeeze %dma_wait3A_207 : memref<1x64x1024xf32, #tpu.memory_space<hbm>> -> memref<64x1024xf32, #tpu.memory_space<hbm>>
      %dma_wait3A_209 = arith.constant 0 : i32
      %dma_wait3A_210 = tpu.memref_slice %arg4[%run_scoped3A_146, %add3A_102, %dma_wait3A_209] : memref<4x8192x1024xf32, #tpu.memory_space<hbm>> -> memref<1x64x1024xf32, #tpu.memory_space<hbm>>
      %dma_wait3A_211 = tpu.memref_squeeze %dma_wait3A_210 : memref<1x64x1024xf32, #tpu.memory_space<hbm>> -> memref<64x1024xf32, #tpu.memory_space<hbm>>
      tpu.wait_dma2 semaphore(%run_scoped3A_199 : memref<!tpu.dma_semaphore, #tpu.memory_space<semaphore_mem>>) src(%arg7 : memref<64x1024xf32, #tpu.memory_space<vmem>>) dst(%dma_wait3A_211 : memref<64x1024xf32, #tpu.memory_space<hbm>>)
      tpu.yield
    }) : () -> ()
    %run_scoped3A_147 = arith.constant 2 : i32
    "tpu.region"() ({
      %run_scoped3A_199 = tpu.sem_alloc : memref<!tpu.dma_semaphore, #tpu.memory_space<semaphore_mem>>
      %dma_start3A_200 = arith.constant 0 : i32
      %dma_start3A_201 = tpu.memref_slice %arg4[%run_scoped3A_147, %add3A_102, %dma_start3A_200] : memref<4x8192x1024xf32, #tpu.memory_space<hbm>> -> memref<1x64x1024xf32, #tpu.memory_space<hbm>>
      %dma_start3A_202 = tpu.memref_squeeze %dma_start3A_201 : memref<1x64x1024xf32, #tpu.memory_space<hbm>> -> memref<64x1024xf32, #tpu.memory_space<hbm>>
      %dma_start3A_203 = arith.constant 0 : i32
      %dma_start3A_204 = tpu.memref_slice %arg4[%run_scoped3A_147, %add3A_102, %dma_start3A_203] : memref<4x8192x1024xf32, #tpu.memory_space<hbm>> -> memref<1x64x1024xf32, #tpu.memory_space<hbm>>
      %dma_start3A_205 = tpu.memref_squeeze %dma_start3A_204 : memref<1x64x1024xf32, #tpu.memory_space<hbm>> -> memref<64x1024xf32, #tpu.memory_space<hbm>>
      tpu.enqueue_dma source(%arg7 : memref<64x1024xf32, #tpu.memory_space<vmem>>) target(%dma_start3A_205 : memref<64x1024xf32, #tpu.memory_space<hbm>>) target_semaphore(%run_scoped3A_199 : memref<!tpu.dma_semaphore, #tpu.memory_space<semaphore_mem>>)
      %dma_wait3A_206 = arith.constant 0 : i32
      %dma_wait3A_207 = tpu.memref_slice %arg4[%run_scoped3A_147, %add3A_102, %dma_wait3A_206] : memref<4x8192x1024xf32, #tpu.memory_space<hbm>> -> memref<1x64x1024xf32, #tpu.memory_space<hbm>>
      %dma_wait3A_208 = tpu.memref_squeeze %dma_wait3A_207 : memref<1x64x1024xf32, #tpu.memory_space<hbm>> -> memref<64x1024xf32, #tpu.memory_space<hbm>>
      %dma_wait3A_209 = arith.constant 0 : i32
      %dma_wait3A_210 = tpu.memref_slice %arg4[%run_scoped3A_147, %add3A_102, %dma_wait3A_209] : memref<4x8192x1024xf32, #tpu.memory_space<hbm>> -> memref<1x64x1024xf32, #tpu.memory_space<hbm>>
      %dma_wait3A_211 = tpu.memref_squeeze %dma_wait3A_210 : memref<1x64x1024xf32, #tpu.memory_space<hbm>> -> memref<64x1024xf32, #tpu.memory_space<hbm>>
      tpu.wait_dma2 semaphore(%run_scoped3A_199 : memref<!tpu.dma_semaphore, #tpu.memory_space<semaphore_mem>>) src(%arg7 : memref<64x1024xf32, #tpu.memory_space<vmem>>) dst(%dma_wait3A_211 : memref<64x1024xf32, #tpu.memory_space<hbm>>)
      tpu.yield
    }) : () -> ()
    %run_scoped3A_148 = arith.constant 3 : i32
    "tpu.region"() ({
      %run_scoped3A_199 = tpu.sem_alloc : memref<!tpu.dma_semaphore, #tpu.memory_space<semaphore_mem>>
      %dma_start3A_200 = arith.constant 0 : i32
      %dma_start3A_201 = tpu.memref_slice %arg4[%run_scoped3A_148, %add3A_102, %dma_start3A_200] : memref<4x8192x1024xf32, #tpu.memory_space<hbm>> -> memref<1x64x1024xf32, #tpu.memory_space<hbm>>
      %dma_start3A_202 = tpu.memref_squeeze %dma_start3A_201 : memref<1x64x1024xf32, #tpu.memory_space<hbm>> -> memref<64x1024xf32, #tpu.memory_space<hbm>>
      %dma_start3A_203 = arith.constant 0 : i32
      %dma_start3A_204 = tpu.memref_slice %arg4[%run_scoped3A_148, %add3A_102, %dma_start3A_203] : memref<4x8192x1024xf32, #tpu.memory_space<hbm>> -> memref<1x64x1024xf32, #tpu.memory_space<hbm>>
      %dma_start3A_205 = tpu.memref_squeeze %dma_start3A_204 : memref<1x64x1024xf32, #tpu.memory_space<hbm>> -> memref<64x1024xf32, #tpu.memory_space<hbm>>
      tpu.enqueue_dma source(%arg7 : memref<64x1024xf32, #tpu.memory_space<vmem>>) target(%dma_start3A_205 : memref<64x1024xf32, #tpu.memory_space<hbm>>) target_semaphore(%run_scoped3A_199 : memref<!tpu.dma_semaphore, #tpu.memory_space<semaphore_mem>>)
      %dma_wait3A_206 = arith.constant 0 : i32
      %dma_wait3A_207 = tpu.memref_slice %arg4[%run_scoped3A_148, %add3A_102, %dma_wait3A_206] : memref<4x8192x1024xf32, #tpu.memory_space<hbm>> -> memref<1x64x1024xf32, #tpu.memory_space<hbm>>
      %dma_wait3A_208 = tpu.memref_squeeze %dma_wait3A_207 : memref<1x64x1024xf32, #tpu.memory_space<hbm>> -> memref<64x1024xf32, #tpu.memory_space<hbm>>
      %dma_wait3A_209 = arith.constant 0 : i32
      %dma_wait3A_210 = tpu.memref_slice %arg4[%run_scoped3A_148, %add3A_102, %dma_wait3A_209] : memref<4x8192x1024xf32, #tpu.memory_space<hbm>> -> memref<1x64x1024xf32, #tpu.memory_space<hbm>>
      %dma_wait3A_211 = tpu.memref_squeeze %dma_wait3A_210 : memref<1x64x1024xf32, #tpu.memory_space<hbm>> -> memref<64x1024xf32, #tpu.memory_space<hbm>>
      tpu.wait_dma2 semaphore(%run_scoped3A_199 : memref<!tpu.dma_semaphore, #tpu.memory_space<semaphore_mem>>) src(%arg7 : memref<64x1024xf32, #tpu.memory_space<vmem>>) dst(%dma_wait3A_211 : memref<64x1024xf32, #tpu.memory_space<hbm>>)
      tpu.yield
    }) : () -> ()
    %mul3A_149 = arith.constant 256 : i32
    %mul3A_150 = arith.muli %add3A, %mul3A_149 : i32
    %add3A_151 = arith.constant 192 : i32
    %add3A_152 = arith.addi %mul3A_150, %add3A_151 : i32
    %add3A_153 = arith.constant 0 : i32
    %add3A_154 = arith.addi %add3A_152, %add3A_153 : i32
    %add3A_155 = vector.broadcast %add3A_154 : i32 to vector<16xi32>
    %add3A_156 = arith.addi %get3A_2, %add3A_155 : vector<16xi32>
    %add3A_157 = arith.addi %add3A_156, %iota3A : vector<16xi32>
    %swap3A_158 = arith.constant 0 : index
    %swap3A_159 = tpu.vector_load %arg6[%swap3A_158] {strides = array<i32>} : memref<64xi32, #tpu.memory_space<vmem>>, vector<16xi32>,
    %swap3A_160 = vector.shape_cast %swap3A_159 : vector<16xi32> to vector<16xi32>
    %swap3A_161 = vector.shape_cast %add3A_157 : vector<16xi32> to vector<16xi32>
    tpu.vector_store %arg6[%swap3A_158], %swap3A_161 {strides = array<i32>} : memref<64xi32, #tpu.memory_space<vmem>>, vector<16xi32>,
    %add3A_162 = arith.constant 16 : i32
    %add3A_163 = arith.addi %add3A_152, %add3A_162 : i32
    %add3A_164 = vector.broadcast %add3A_163 : i32 to vector<16xi32>
    %add3A_165 = arith.addi %get3A_2, %add3A_164 : vector<16xi32>
    %add3A_166 = arith.addi %add3A_165, %iota3A : vector<16xi32>
    %swap3A_167 = arith.constant 16 : index
    %swap3A_168 = tpu.vector_load %arg6[%swap3A_167] {strides = array<i32>} : memref<64xi32, #tpu.memory_space<vmem>>, vector<16xi32>,
    %swap3A_169 = vector.shape_cast %swap3A_168 : vector<16xi32> to vector<16xi32>
    %swap3A_170 = vector.shape_cast %add3A_166 : vector<16xi32> to vector<16xi32>
    tpu.vector_store %arg6[%swap3A_167], %swap3A_170 {strides = array<i32>} : memref<64xi32, #tpu.memory_space<vmem>>, vector<16xi32>,
    %add3A_171 = arith.constant 32 : i32
    %add3A_172 = arith.addi %add3A_152, %add3A_171 : i32
    %add3A_173 = vector.broadcast %add3A_172 : i32 to vector<16xi32>
    %add3A_174 = arith.addi %get3A_2, %add3A_173 : vector<16xi32>
    %add3A_175 = arith.addi %add3A_174, %iota3A : vector<16xi32>
    %swap3A_176 = arith.constant 32 : index
    %swap3A_177 = tpu.vector_load %arg6[%swap3A_176] {strides = array<i32>} : memref<64xi32, #tpu.memory_space<vmem>>, vector<16xi32>,
    %swap3A_178 = vector.shape_cast %swap3A_177 : vector<16xi32> to vector<16xi32>
    %swap3A_179 = vector.shape_cast %add3A_175 : vector<16xi32> to vector<16xi32>
    tpu.vector_store %arg6[%swap3A_176], %swap3A_179 {strides = array<i32>} : memref<64xi32, #tpu.memory_space<vmem>>, vector<16xi32>,
    %add3A_180 = arith.constant 48 : i32
    %add3A_181 = arith.addi %add3A_152, %add3A_180 : i32
    %add3A_182 = vector.broadcast %add3A_181 : i32 to vector<16xi32>
    %add3A_183 = arith.addi %get3A_2, %add3A_182 : vector<16xi32>
    %add3A_184 = arith.addi %add3A_183, %iota3A : vector<16xi32>
    %swap3A_185 = arith.constant 48 : index
    %swap3A_186 = tpu.vector_load %arg6[%swap3A_185] {strides = array<i32>} : memref<64xi32, #tpu.memory_space<vmem>>, vector<16xi32>,
    %swap3A_187 = vector.shape_cast %swap3A_186 : vector<16xi32> to vector<16xi32>
    %swap3A_188 = vector.shape_cast %add3A_184 : vector<16xi32> to vector<16xi32>
    tpu.vector_store %arg6[%swap3A_185], %swap3A_188 {strides = array<i32>} : memref<64xi32, #tpu.memory_space<vmem>>, vector<16xi32>,
    %dma_start3A_189 = arith.constant 0 : i32
    %dma_start3A_190 = arith.constant 0 : i32
    %dma_start3A_191 = tpu.memref_slice %arg3[%dma_start3A_189, %dma_start3A_190] : memref<8192x1024xf32, #tpu.memory_space<hbm>> -> memref<8192x1024xf32, #tpu.memory_space<hbm>>
    tpu.enqueue_indirect_dma source(%dma_start3A_191 : memref<8192x1024xf32, #tpu.memory_space<hbm>>) target(%arg7 : memref<64x1024xf32, #tpu.memory_space<vmem>>) offsets(%arg6 : memref<64xi32, #tpu.memory_space<vmem>>) semaphore(%arg8 : memref<!tpu.dma_semaphore, #tpu.memory_space<semaphore_mem>>)
    %dma_wait3A_192 = arith.constant 0 : i32
    %dma_wait3A_193 = arith.constant 0 : i32
    %dma_wait3A_194 = tpu.memref_slice %arg3[%dma_wait3A_192, %dma_wait3A_193] : memref<8192x1024xf32, #tpu.memory_space<hbm>> -> memref<8192x1024xf32, #tpu.memory_space<hbm>>
    tpu.wait_indirect_dma semaphore(%arg8 : memref<!tpu.dma_semaphore, #tpu.memory_space<semaphore_mem>>) src(%dma_wait3A_194 : memref<8192x1024xf32, #tpu.memory_space<hbm>>) dst(%arg7 : memref<64x1024xf32, #tpu.memory_space<vmem>>)
    %run_scoped3A_195 = arith.constant 0 : i32
    "tpu.region"() ({
      %run_scoped3A_199 = tpu.sem_alloc : memref<!tpu.dma_semaphore, #tpu.memory_space<semaphore_mem>>
      %dma_start3A_200 = arith.constant 0 : i32
      %dma_start3A_201 = tpu.memref_slice %arg4[%run_scoped3A_195, %add3A_152, %dma_start3A_200] : memref<4x8192x1024xf32, #tpu.memory_space<hbm>> -> memref<1x64x1024xf32, #tpu.memory_space<hbm>>
      %dma_start3A_202 = tpu.memref_squeeze %dma_start3A_201 : memref<1x64x1024xf32, #tpu.memory_space<hbm>> -> memref<64x1024xf32, #tpu.memory_space<hbm>>
      %dma_start3A_203 = arith.constant 0 : i32
      %dma_start3A_204 = tpu.memref_slice %arg4[%run_scoped3A_195, %add3A_152, %dma_start3A_203] : memref<4x8192x1024xf32, #tpu.memory_space<hbm>> -> memref<1x64x1024xf32, #tpu.memory_space<hbm>>
      %dma_start3A_205 = tpu.memref_squeeze %dma_start3A_204 : memref<1x64x1024xf32, #tpu.memory_space<hbm>> -> memref<64x1024xf32, #tpu.memory_space<hbm>>
      tpu.enqueue_dma source(%arg7 : memref<64x1024xf32, #tpu.memory_space<vmem>>) target(%dma_start3A_205 : memref<64x1024xf32, #tpu.memory_space<hbm>>) target_semaphore(%run_scoped3A_199 : memref<!tpu.dma_semaphore, #tpu.memory_space<semaphore_mem>>)
      %dma_wait3A_206 = arith.constant 0 : i32
      %dma_wait3A_207 = tpu.memref_slice %arg4[%run_scoped3A_195, %add3A_152, %dma_wait3A_206] : memref<4x8192x1024xf32, #tpu.memory_space<hbm>> -> memref<1x64x1024xf32, #tpu.memory_space<hbm>>
      %dma_wait3A_208 = tpu.memref_squeeze %dma_wait3A_207 : memref<1x64x1024xf32, #tpu.memory_space<hbm>> -> memref<64x1024xf32, #tpu.memory_space<hbm>>
      %dma_wait3A_209 = arith.constant 0 : i32
      %dma_wait3A_210 = tpu.memref_slice %arg4[%run_scoped3A_195, %add3A_152, %dma_wait3A_209] : memref<4x8192x1024xf32, #tpu.memory_space<hbm>> -> memref<1x64x1024xf32, #tpu.memory_space<hbm>>
      %dma_wait3A_211 = tpu.memref_squeeze %dma_wait3A_210 : memref<1x64x1024xf32, #tpu.memory_space<hbm>> -> memref<64x1024xf32, #tpu.memory_space<hbm>>
      tpu.wait_dma2 semaphore(%run_scoped3A_199 : memref<!tpu.dma_semaphore, #tpu.memory_space<semaphore_mem>>) src(%arg7 : memref<64x1024xf32, #tpu.memory_space<vmem>>) dst(%dma_wait3A_211 : memref<64x1024xf32, #tpu.memory_space<hbm>>)
      tpu.yield
    }) : () -> ()
    %run_scoped3A_196 = arith.constant 1 : i32
    "tpu.region"() ({
      %run_scoped3A_199 = tpu.sem_alloc : memref<!tpu.dma_semaphore, #tpu.memory_space<semaphore_mem>>
      %dma_start3A_200 = arith.constant 0 : i32
      %dma_start3A_201 = tpu.memref_slice %arg4[%run_scoped3A_196, %add3A_152, %dma_start3A_200] : memref<4x8192x1024xf32, #tpu.memory_space<hbm>> -> memref<1x64x1024xf32, #tpu.memory_space<hbm>>
      %dma_start3A_202 = tpu.memref_squeeze %dma_start3A_201 : memref<1x64x1024xf32, #tpu.memory_space<hbm>> -> memref<64x1024xf32, #tpu.memory_space<hbm>>
      %dma_start3A_203 = arith.constant 0 : i32
      %dma_start3A_204 = tpu.memref_slice %arg4[%run_scoped3A_196, %add3A_152, %dma_start3A_203] : memref<4x8192x1024xf32, #tpu.memory_space<hbm>> -> memref<1x64x1024xf32, #tpu.memory_space<hbm>>
      %dma_start3A_205 = tpu.memref_squeeze %dma_start3A_204 : memref<1x64x1024xf32, #tpu.memory_space<hbm>> -> memref<64x1024xf32, #tpu.memory_space<hbm>>
      tpu.enqueue_dma source(%arg7 : memref<64x1024xf32, #tpu.memory_space<vmem>>) target(%dma_start3A_205 : memref<64x1024xf32, #tpu.memory_space<hbm>>) target_semaphore(%run_scoped3A_199 : memref<!tpu.dma_semaphore, #tpu.memory_space<semaphore_mem>>)
      %dma_wait3A_206 = arith.constant 0 : i32
      %dma_wait3A_207 = tpu.memref_slice %arg4[%run_scoped3A_196, %add3A_152, %dma_wait3A_206] : memref<4x8192x1024xf32, #tpu.memory_space<hbm>> -> memref<1x64x1024xf32, #tpu.memory_space<hbm>>
      %dma_wait3A_208 = tpu.memref_squeeze %dma_wait3A_207 : memref<1x64x1024xf32, #tpu.memory_space<hbm>> -> memref<64x1024xf32, #tpu.memory_space<hbm>>
      %dma_wait3A_209 = arith.constant 0 : i32
      %dma_wait3A_210 = tpu.memref_slice %arg4[%run_scoped3A_196, %add3A_152, %dma_wait3A_209] : memref<4x8192x1024xf32, #tpu.memory_space<hbm>> -> memref<1x64x1024xf32, #tpu.memory_space<hbm>>
      %dma_wait3A_211 = tpu.memref_squeeze %dma_wait3A_210 : memref<1x64x1024xf32, #tpu.memory_space<hbm>> -> memref<64x1024xf32, #tpu.memory_space<hbm>>
      tpu.wait_dma2 semaphore(%run_scoped3A_199 : memref<!tpu.dma_semaphore, #tpu.memory_space<semaphore_mem>>) src(%arg7 : memref<64x1024xf32, #tpu.memory_space<vmem>>) dst(%dma_wait3A_211 : memref<64x1024xf32, #tpu.memory_space<hbm>>)
      tpu.yield
    }) : () -> ()
    %run_scoped3A_197 = arith.constant 2 : i32
    "tpu.region"() ({
      %run_scoped3A_199 = tpu.sem_alloc : memref<!tpu.dma_semaphore, #tpu.memory_space<semaphore_mem>>
      %dma_start3A_200 = arith.constant 0 : i32
      %dma_start3A_201 = tpu.memref_slice %arg4[%run_scoped3A_197, %add3A_152, %dma_start3A_200] : memref<4x8192x1024xf32, #tpu.memory_space<hbm>> -> memref<1x64x1024xf32, #tpu.memory_space<hbm>>
      %dma_start3A_202 = tpu.memref_squeeze %dma_start3A_201 : memref<1x64x1024xf32, #tpu.memory_space<hbm>> -> memref<64x1024xf32, #tpu.memory_space<hbm>>
      %dma_start3A_203 = arith.constant 0 : i32
      %dma_start3A_204 = tpu.memref_slice %arg4[%run_scoped3A_197, %add3A_152, %dma_start3A_203] : memref<4x8192x1024xf32, #tpu.memory_space<hbm>> -> memref<1x64x1024xf32, #tpu.memory_space<hbm>>
      %dma_start3A_205 = tpu.memref_squeeze %dma_start3A_204 : memref<1x64x1024xf32, #tpu.memory_space<hbm>> -> memref<64x1024xf32, #tpu.memory_space<hbm>>
      tpu.enqueue_dma source(%arg7 : memref<64x1024xf32, #tpu.memory_space<vmem>>) target(%dma_start3A_205 : memref<64x1024xf32, #tpu.memory_space<hbm>>) target_semaphore(%run_scoped3A_199 : memref<!tpu.dma_semaphore, #tpu.memory_space<semaphore_mem>>)
      %dma_wait3A_206 = arith.constant 0 : i32
      %dma_wait3A_207 = tpu.memref_slice %arg4[%run_scoped3A_197, %add3A_152, %dma_wait3A_206] : memref<4x8192x1024xf32, #tpu.memory_space<hbm>> -> memref<1x64x1024xf32, #tpu.memory_space<hbm>>
      %dma_wait3A_208 = tpu.memref_squeeze %dma_wait3A_207 : memref<1x64x1024xf32, #tpu.memory_space<hbm>> -> memref<64x1024xf32, #tpu.memory_space<hbm>>
      %dma_wait3A_209 = arith.constant 0 : i32
      %dma_wait3A_210 = tpu.memref_slice %arg4[%run_scoped3A_197, %add3A_152, %dma_wait3A_209] : memref<4x8192x1024xf32, #tpu.memory_space<hbm>> -> memref<1x64x1024xf32, #tpu.memory_space<hbm>>
      %dma_wait3A_211 = tpu.memref_squeeze %dma_wait3A_210 : memref<1x64x1024xf32, #tpu.memory_space<hbm>> -> memref<64x1024xf32, #tpu.memory_space<hbm>>
      tpu.wait_dma2 semaphore(%run_scoped3A_199 : memref<!tpu.dma_semaphore, #tpu.memory_space<semaphore_mem>>) src(%arg7 : memref<64x1024xf32, #tpu.memory_space<vmem>>) dst(%dma_wait3A_211 : memref<64x1024xf32, #tpu.memory_space<hbm>>)
      tpu.yield
    }) : () -> ()
    %run_scoped3A_198 = arith.constant 3 : i32
    "tpu.region"() ({
      %run_scoped3A_199 = tpu.sem_alloc : memref<!tpu.dma_semaphore, #tpu.memory_space<semaphore_mem>>
      %dma_start3A_200 = arith.constant 0 : i32
      %dma_start3A_201 = tpu.memref_slice %arg4[%run_scoped3A_198, %add3A_152, %dma_start3A_200] : memref<4x8192x1024xf32, #tpu.memory_space<hbm>> -> memref<1x64x1024xf32, #tpu.memory_space<hbm>>
      %dma_start3A_202 = tpu.memref_squeeze %dma_start3A_201 : memref<1x64x1024xf32, #tpu.memory_space<hbm>> -> memref<64x1024xf32, #tpu.memory_space<hbm>>
      %dma_start3A_203 = arith.constant 0 : i32
      %dma_start3A_204 = tpu.memref_slice %arg4[%run_scoped3A_198, %add3A_152, %dma_start3A_203] : memref<4x8192x1024xf32, #tpu.memory_space<hbm>> -> memref<1x64x1024xf32, #tpu.memory_space<hbm>>
      %dma_start3A_205 = tpu.memref_squeeze %dma_start3A_204 : memref<1x64x1024xf32, #tpu.memory_space<hbm>> -> memref<64x1024xf32, #tpu.memory_space<hbm>>
      tpu.enqueue_dma source(%arg7 : memref<64x1024xf32, #tpu.memory_space<vmem>>) target(%dma_start3A_205 : memref<64x1024xf32, #tpu.memory_space<hbm>>) target_semaphore(%run_scoped3A_199 : memref<!tpu.dma_semaphore, #tpu.memory_space<semaphore_mem>>)
      %dma_wait3A_206 = arith.constant 0 : i32
      %dma_wait3A_207 = tpu.memref_slice %arg4[%run_scoped3A_198, %add3A_152, %dma_wait3A_206] : memref<4x8192x1024xf32, #tpu.memory_space<hbm>> -> memref<1x64x1024xf32, #tpu.memory_space<hbm>>
      %dma_wait3A_208 = tpu.memref_squeeze %dma_wait3A_207 : memref<1x64x1024xf32, #tpu.memory_space<hbm>> -> memref<64x1024xf32, #tpu.memory_space<hbm>>
      %dma_wait3A_209 = arith.constant 0 : i32
      %dma_wait3A_210 = tpu.memref_slice %arg4[%run_scoped3A_198, %add3A_152, %dma_wait3A_209] : memref<4x8192x1024xf32, #tpu.memory_space<hbm>> -> memref<1x64x1024xf32, #tpu.memory_space<hbm>>
      %dma_wait3A_211 = tpu.memref_squeeze %dma_wait3A_210 : memref<1x64x1024xf32, #tpu.memory_space<hbm>> -> memref<64x1024xf32, #tpu.memory_space<hbm>>
      tpu.wait_dma2 semaphore(%run_scoped3A_199 : memref<!tpu.dma_semaphore, #tpu.memory_space<semaphore_mem>>) src(%arg7 : memref<64x1024xf32, #tpu.memory_space<vmem>>) dst(%dma_wait3A_211 : memref<64x1024xf32, #tpu.memory_space<hbm>>)
      tpu.yield
    }) : () -> ()
    return
  }
}

</mosaic_0001>

<sc_bundles>
// kernel: kernel.3.cloned.1.call-start
scs
__scs_entry_jumppad:
0x0: {  	(pc) =	sbr.rel $0x88, $3  }
0x1: {  	(tag) =	ssettag $0x0;
	lr =	simm.s32 $0x1  }
0x2: {  	[smem:$0x3F9F] =	sst lr;
	_ =	strace $0xD0000000  }
0x3: {  	_ = 	snop  }
0x4: {  	_ = 	snop  }
0x5: {  	_ = 	snop  }
0x6: {  	_ = 	snop  }
0x7: {  	_ = 	snop  }
__scs_overlays_trampoline_lowered:
0x8: {  	[smem:$0x3FAE] =	sst s0  }
0x9: {  	[smem:$0x3FAF] =	sst s1  }
0xa: {  	[smem:$0x3FB0] =	sst s2  }
0xb: {  	[smem:$0x3FB1] =	sst s3  }
0xc: {  	[smem:$0x3FB2] =	sst s4  }
0xd: {  	[smem:$0x3FB3] =	sst s5  }
0xe: {  	[smem:$0x3FB4] =	sst s6  }
0xf: {  	[smem:$0x3FB5] =	sst s7  }
0x10: {  	[smem:$0x3FB6] =	sst s8  }
0x11: {  	[smem:$0x3FB7] =	sst s9;
	s0 =	simm.s32 @!p0 $0x0  }
0x12: {  	s1 =	sld [smem:$0x3F9D];
	s0 =	simm.s32 @p0 $0x1  }
0x13: {  	[smem:$0x3FB8] =	sst s0;
	s0 =	simm.s32 @!p1 $0x0  }
0x14: {  	s2 =	sld [smem:$0x3F9C];
	s0 =	simm.s32 @p1 $0x1  }
0x15: {  	[smem:$0x3FB9] =	sst s0;
	s0 =	simm.s32 @!p2 $0x0  }
0x16: {  	s3 =	sld [smem:$0x3FDB];
	s0 =	simm.s32 @p2 $0x1  }
0x17: {  	s4 =	simm.s32 $0x1BF5;
	[smem:$0x3FBB] =	sst s0  }
0x18: {  	s0 =	sld [smem:$0x3F9E];
	_ =	swait.ge [sflag:s4], $0x0  }
0x19: {  	s7 =	sld [smem:$0x3F9F]  }
0x1a: {  	s8 =	sadd.s32 $0xFFFFE003, lr  }
0x1b: {  	s9 =	sadd.s32 $0xFFFFFEF7, lr;
	s5 =	simm.s32 $0xFFFFFFFF;
	p2 =	slt.u32 s8, $0xFFFFF086  }
0x1c: {  	p1 =	slt.u32 s9, $0xF7A;
	s5 =	simm.s32 @!p2 $0x0  }
0x1d: {  	s5 =	simm.s32 @p1 $0x1;
	p0 =	seq.s32 s7, s2  }
0x1e: {  	s7 =	smul.u32 @!p0 $0xF7A, s2;
	p2 =	seq.s32 @!p0 s5, $0x0  }
0x1f: {  	s9 =	smul.u32 $0xF7A, s1;
	s8 =	simm.s32 @!p0 $0x1BF5;
	p2 =	por !p2, p0  }
0x20: {  	[sflag:s8] =	ssyncset.s32 @!p0 $0xFFFFF086;
	s6 =	sadd.s32 @!p0 s3, s7;
	s7 =	simm.s32 @!p0 $0x108  }
0x21: {  	s3 =	sadd.s32 s3, s9;
	s6 =	sadd.s32 @!p0 $0x88, s6;
	s7 =	simm.s32 @p2 $0x1082  }
0x22: {  	[simem:s7], [sflag:s8] =	dma.local @!p0 [hbm:s6], $0xF7A  }
0x23: {  	s9 =	sor.u32 $0xD0000000, s2;
	s6 =	simm.s32 $0x108;
	_ =	swait.ge @!p0 [sflag:s8], $0x0  }
0x24: {  	s3 =	sadd.s32 $0x88, s3;
	s6 =	simm.s32 @!p1 $0x1082;
	[sflag:s4] =	ssyncset.s32 $0xFFFFF086  }
0x25: {  	[simem:s6], [sflag:s4] =	dma.local [hbm:s3], $0xF7A  }
0x26: {  	[smem:$0x3F9F] =	sst s1;
	(tag) =	ssettag s2;
	_ =	strace s9  }
0x27: {  	s1 =	sld [smem:$0x3FAF]  }
0x28: {  	s2 =	sld [smem:$0x3FB0]  }
0x29: {  	s4 =	sld [smem:$0x3FB2]  }
0x2a: {  	p0 =	seq.s32 s5, $0x0;
	s5 =	sld [smem:$0x3FB3]  }
0x2b: {  	s6 =	sld [smem:$0x3FB4]  }
0x2c: {  	s7 =	sld [smem:$0x3FB5]  }
0x2d: {  	s3 =	simm.s32 $0x108;
	s8 =	sld [smem:$0x3FB6]  }
0x2e: {  	s3 =	simm.s32 @!p0 $0x1082;
	s9 =	sld [smem:$0x3FB7]  }
0x2f: {  	lr =	sadd.s32 s0, s3;
	s0 =	sld [smem:$0x3FAE]  }
0x30: {  	s3 =	sld [smem:$0x3FB1]  }
0x31: {  	[smem:$0x3FBA] =	sst s10  }
0x32: {  	s10 =	sld [smem:$0x3FB8];
	_ =	sdelay $0x3  }
0x33: {  	p0 =	seq.s32 s10, $0x1;
	s10 =	sld [smem:$0x3FBA];
	_ =	sdelay $0x3  }
0x34: {  	[smem:$0x3FBA] =	sst s10  }
0x35: {  	s10 =	sld [smem:$0x3FB9];
	_ =	sdelay $0x3  }
0x36: {  	p1 =	seq.s32 s10, $0x1;
	s10 =	sld [smem:$0x3FBA];
	_ =	sdelay $0x3  }
0x37: {  	[smem:$0x3FBA] =	sst s10  }
0x38: {  	s10 =	sld [smem:$0x3FBB]  }
0x39: {  	_ = 	snop;
	(pc) =	sbr.ind lr, $3  }
0x3a: {  	_ = 	snop  }
0x3b: {  	_ = 	snop  }
0x3c: {  	p2 =	seq.s32 s10, $0x1;
	s10 =	sld [smem:$0x3FBA]  }
0x3d: {  	_ =	shalt  }
0x3e: {  	_ =	shalt  }
0x3f: {  	_ =	shalt  }
0x40: {  	_ =	shalt  }
0x41: {  	_ =	shalt  }
0x42: {  	_ =	shalt  }
0x43: {  	_ =	shalt  }
0x44: {  	_ =	shalt  }
0x45: {  	_ =	shalt  }
0x46: {  	_ =	shalt  }
0x47: {  	_ =	shalt  }
0x48: {  	_ =	shalt  }
0x49: {  	_ =	shalt  }
0x4a: {  	_ =	shalt  }
0x4b: {  	_ =	shalt  }
0x4c: {  	_ =	shalt  }
0x4d: {  	_ =	shalt  }
0x4e: {  	_ =	shalt  }
0x4f: {  	_ =	shalt  }
0x50: {  	_ =	shalt  }
0x51: {  	_ =	shalt  }
0x52: {  	_ =	shalt  }
0x53: {  	_ =	shalt  }
0x54: {  	_ =	shalt  }
0x55: {  	_ =	shalt  }
0x56: {  	_ =	shalt  }
0x57: {  	_ =	shalt  }
0x58: {  	_ =	shalt  }
0x59: {  	_ =	shalt  }
0x5a: {  	_ =	shalt  }
0x5b: {  	_ =	shalt  }
0x5c: {  	_ =	shalt  }
0x5d: {  	_ =	shalt  }
0x5e: {  	_ =	shalt  }
0x5f: {  	_ =	shalt  }
0x60: {  	_ =	shalt  }
0x61: {  	_ =	shalt  }
0x62: {  	_ =	shalt  }
0x63: {  	_ =	shalt  }
0x64: {  	_ =	shalt  }
0x65: {  	_ =	shalt  }
0x66: {  	_ =	shalt  }
0x67: {  	_ =	shalt  }
0x68: {  	_ =	shalt  }
0x69: {  	_ =	shalt  }
0x6a: {  	_ =	shalt  }
0x6b: {  	_ =	shalt  }
0x6c: {  	_ =	shalt  }
0x6d: {  	_ =	shalt  }
0x6e: {  	_ =	shalt  }
0x6f: {  	_ =	shalt  }
0x70: {  	_ =	shalt  }
0x71: {  	_ =	shalt  }
0x72: {  	_ =	shalt  }
0x73: {  	_ =	shalt  }
0x74: {  	_ =	shalt  }
0x75: {  	_ =	shalt  }
0x76: {  	_ =	shalt  }
0x77: {  	_ =	shalt  }
0x78: {  	_ =	shalt  }
0x79: {  	_ =	shalt  }
0x7a: {  	_ =	shalt  }
0x7b: {  	_ =	shalt  }
0x7c: {  	_ =	shalt  }
0x7d: {  	_ =	shalt  }
0x7e: {  	_ =	shalt  }
0x7f: {  	_ =	shalt  }
0x80: {  	_ =	shalt  }
0x81: {  	_ =	shalt  }
0x82: {  	_ =	shalt  }
0x83: {  	_ =	shalt  }
0x84: {  	_ =	shalt  }
0x85: {  	_ =	shalt  }
0x86: {  	_ =	shalt  }
0x87: {  	_ =	shalt  }
.Lfunc_end0:
.L_simem_size_0:
called_computation_lowered:
.L_overlay_start_0:
0x88: {  	s2 =	sld [smem:$0x3FD9]  }
0x89: {  	s3 =	sld [smem:$0x3FFE];
	_ =	sdelay $0x1  }
0x8a: {  	s1 =	srdreg.scid  }
0x8b: {  	s0 =	sand.u32 $0x1, s1  }
0x8c: {  	s17 =	sshll.u32 s0, $0xA;
	s2 =	sadd.s32 s3, s2  }
0x8d: {  	s2 =	sadd.s32 s2, s17  }
0x8e: {  	[smem:$0x3FC6] =	sst s2  }
0x8f: {  	_ = 	snop  }
0x90: {  	s2 =	sld [smem:$0x3FC9]  }
0x91: {  	s18 =	sld [smem:$0x3FD0];
	(tm) =	ssettm $0x1  }
0x92: {  	s4 =	sld [smem:$0x3FFB];
	_ =	sdelay $0x3  }
0x93: {  	_ =	strace s4  }
0x94: {  	s4 =	sld [smem:$0x3FFC];
	_ =	sdelay $0x3  }
0x95: {  	_ =	strace s4  }
0x96: {  	s4 =	sld [smem:$0x3FFD];
	_ =	sdelay $0x3  }
0x97: {  	_ =	strace s4  }
0x98: {  	_ =	strace $0x8FFFFFFF  }
0x99: {  	s19 =	sld [smem:$0x3FDB];
	_ =	sdelay $0x1  }
0x9a: {  	s5 =	simm.s32 $_scs_section_size  }
0x9b: {  	s6 =	simm.s32 $_size__tile_overlayer_lowered;
	s7 =	simm.s32 $_tile_overlayer_lowered  }
0x9c: {  	s22 =	simm.s32 $0x1BFF;
	s21 =	sshll.u32 s7, $0x1;
	s4 =	sadd.s32 s5, s19  }
0x9d: {  	s8 =	simm.s32 $0x0;
	s20 =	sshll.u32 s6, $0x1;
	s6 =	sadd.s32 s21, s4  }
0x9e: {  	[timem:s8], [sflag:s22] =	dma.local [hbm:s6], s20  }
0x9f: {  	_ =	swait.ge [sflag:s22], s20  }
0xa0: {  	s5 =	ssub.s32 $0x0, s20;
	[sflag:s22] =	ssyncset.done $0x0  }
0xa1: {  	[sflag:s22] =	ssyncadd.s32 s5;
	_ =	sdelay $0x1  }
0xa2: {  	s23 =	simm.s32 $0x1B8B  }
0xa3: {  	_ =	swait.ge [sflag:s23], $0x1  }
0xa4: {  	[sflag:s23] =	ssyncset.done $0x0  }
0xa5: {  	s25 =	simm.s32 $0x1B8E;
	s24 =	sld [smem:$0x3FFE];
	[sflag:s23] =	ssyncadd.s32 $0xFFFFFFFF  }
0xa6: {  	s26 =	simm.s32 $execute0_lowered;
	[smem:$0x3FD2] =	sst s25  }
0xa7: {  	s6 =	sshll.u32 s26, $0x1;
	_ =	strace $0x80000046;
	[dreg:$0x1] =	wrdreg $0xFFFFFFFF  }
0xa8: {  	s28 =	simm.s32 $_size_execute0_lowered;
	s4 =	sadd.s32 s4, s6;
	[dreg:$0x0] =	wrdreg $0x0  }
0xa9: {  	s6 =	sshll.u32 s28, $0x1;
	[dreg:$0x2] =	wrdreg s4  }
0xaa: {  	[dreg:$0x3] =	wrdreg s6  }
0xab: {  	[dreg:$0x4] =	wrdreg $0xC0  }
0xac: {  	_ =	task [dreg:s8], $0x5FFFF  }
0xad: {  	[dreg:$0x1] =	wrdreg $0xFFFFFFFF  }
0xae: {  	[dreg:$0x0] =	wrdreg $0x60  }
0xaf: {  	[dreg:$0x2] =	wrdreg s24  }
0xb0: {  	[dreg:$0x3] =	wrdreg s2  }
0xb1: {  	[dreg:$0x4] =	wrdreg s18  }
0xb2: {  	[dreg:$0x5] =	wrdreg $0x9  }
0xb3: {  	_ =	task.clear_ibuf [dreg:s8], $0x6FFFF;
	_ =	strace $0x90000046  }
0xb4: {  	s29 =	simm.s32 $0x9;
	_ =	strace $0x80000048  }
0xb5: {  	_ =	swait.ge [sflag:s29], $0x1  }
0xb6: {  	[sflag:s29] =	ssyncadd.s32 $0xFFFFFFFF  }
0xb7: {  	_ =	strace $0x90000048  }
0xb8: {  	_ =	sfence  }
0xb9: {  	s30 =	sld [smem:$0x0];
	_ =	sdelay $0x2  }
0xba: {  	s31 =	sshll.u32 s1, $0xD;
	s1 =	sshrl.u32 s1, $0x2  }
0xbb: {  	s3 =	sand.u32 $0x4000, s31;
	s1 =	sadd.s32 s1, s30  }
0xbc: {  	s0 =	sor.u32 s3, s0;
	s1 =	sshll.u32 s1, $0x11  }
0xbd: {  	s0 =	sor.u32 s1, s0  }
0xbe: {  	s0 =	sadd.s32 $0x8F2B, s0  }
0xbf: {  	[sflag:s0] =	ssyncadd.remote.s32 $0x1  }
0xc0: {  	_ =	sfence.sel $0xFFFF  }
0xc1: {  	[dreg:$0x0] =	wrdreg $0xFFFFFFFF;
	(pc) =	sbr.abs _section_cstart, $3  }
0xc2: {  	[dreg:$0x1] =	wrdreg $0xFFFFFFFF  }
0xc3: {  	_ =	task.clear_ibuf [dreg:s8], $0x2FFFF;
	_ =	strace $0x9FFFFFFF  }
0xc4: {  	(tm) =	ssettm $0x7FFFFFFF  }
0xc5: {  	_ =	shalt  }
tec
execute0_lowered:
.L_overlay_start_1:
0x0: {  	(tag) =	ssettag $0x1  }
0x1: {  	s0 =	rddreg [dreg:$0x0]  }
0x2: {  	s1 =	rddreg [dreg:$0x1]  }
0x3: {  	s7 =	rddreg [dreg:$0x2]  }
0x4: {  	s2 =	simm.s32 $0x0;
	s3 =	srdreg.scid;
	s5 =	stileid.u32  }
0x5: {  	[smem:$0x7FF] =	sst s2;
	s0 =	sadd.s32 $0x400, s0;
	s3 =	sand.u32 $0x1, s3  }
0x6: {  	s5 =	sshll.u32 s5, $0x9;
	s14 =	sadd.s32 $0x100000, s7;
	s15 =	sadd.s32 $0x200000, s7  }
0x7: {  	s16 =	sadd.s32 $0x300000, s7;
	_ =	strace $0x80000047;
	s4 =	ssub.s32 $0x2, s3  }
0x8: {  	s3 =	sshll.u32 s3, $0x8;
	[dreg:$0x4] =	wrdreg s0;
	s28 =	sshrl.u32 s4, $0x1  }
0x9: {  	s3 =	sor.u32 s3, s5;
	s5 =	sadd.s32 $0x200, s1;
	s8 =	ssub.s32 s4, s28  }
0xa: {  	s21 =	sor.u32 $0x10, s3;
	s22 =	sor.u32 $0x20, s3;
	s6 =	sshll.u32 s3, $0x7  }
0xb: {  	s24 =	sor.u32 $0x30, s3;
	s4 =	sadd.s32 $0x100, s1;
	s9 =	sadd.s32 s7, s6  }
0xc: {  	s12 =	sor.u32 $0x40, s3;
	s29 =	sadd.s32 s6, s14;
	[dreg:$0x5] =	wrdreg s9  }
0xd: {  	s17 =	sor.u32 $0x50, s3;
	s30 =	sadd.s32 s6, s15;
	[dreg:$0x6] =	wrdreg s29  }
0xe: {  	s28 =	sor.u32 $0x70, s3;
	s31 =	sadd.s32 s6, s16;
	[dreg:$0x7] =	wrdreg s30  }
0xf: {  	s6 =	sadd.s32 $0x300, s1;
	s0 =	sshll.u32 s12, $0x7;
	[dreg:$0x8] =	wrdreg s31  }
0x10: {  	s30 =	sor.u32 $0x60, s3;
	s18 =	sadd.s32 s7, s0;
	s10 =	sadd.s32 s0, s14  }
0x11: {  	s11 =	sadd.s32 s0, s15;
	s29 =	sor.u32 $0x80, s3;
	[dreg:$0x9] =	wrdreg s18  }
0x12: {  	s9 =	sadd.s32 s0, s16;
	s31 =	sor.u32 $0x90, s3;
	[dreg:$0xa] =	wrdreg s10  }
0x13: {  	s0 =	sor.u32 $0xA0, s3;
	[dreg:$0xb] =	wrdreg s11;
	s13 =	sshll.u32 s29, $0x7  }
0x14: {  	[dreg:$0xc] =	wrdreg s9;
	s10 =	sor.u32 $0xC0, s3;
	s19 =	sadd.s32 s7, s13  }
0x15: {  	v18 =	vlaneseq.u32;
	s11 =	sor.u32 $0xB0, s3;
	s20 =	sadd.s32 s13, s14;
	[dreg:$0xd] =	wrdreg s19  }
0x16: {  	vm0 =	vmmov $0xffff;
	v16 =	vand.u32 $0x7, v18;
	v17 =	vshrl.u32 v18, $0x3;
	s9 =	simm.s32 $0x100;
	s23 =	sadd.s32 s13, s15;
	[dreg:$0xe] =	wrdreg s20  }
0x17: {  	v17 =	vmul.u32 $0x8, v17;
	v0 =	vor.u32 s3, v18;
	v1 =	vor.u32 s21, v18;
	s25 =	sadd.s32 s13, s16;
	s26 =	sshll.u32 s10, $0x7;
	[dreg:$0xf] =	wrdreg s23  }
0x18: {  	v2 =	vor.u32 s22, v18;
	v3 =	vor.u32 s24, v18;
	v4 =	vor.u32 s12, v18;
	s18 =	simm.s32 $0x1;
	[dreg:$0x10] =	wrdreg s25;
	s7 =	sadd.s32 s7, s26  }
0x19: {  	v5 =	vor.u32 s17, v18;
	v7 =	vor.u32 s28, v18;
	v6 =	vor.u32 s30, v18;
	s13 =	sor.u32 $0xD0, s3;
	s19 =	sadd.s32 s26, s14;
	[dreg:$0x11] =	wrdreg s7  }
0x1a: {  	v8 =	vor.u32 s29, v18;
	v9 =	vor.u32 s31, v18;
	v10 =	vor.u32 s0, v18;
	s20 =	sor.u32 $0xE0, s3;
	s23 =	sadd.s32 s26, s15;
	[dreg:$0x12] =	wrdreg s19  }
0x1b: {  	v11 =	vor.u32 s11, v18;
	v12 =	vor.u32 s10, v18;
	s25 =	sor.u32 $0xF0, s3;
	s26 =	sadd.s32 s26, s16;
	v13 =	vor.u32 s13, v18;
	[dreg:$0x13] =	wrdreg s23  }
0x1c: {  	[dreg:$0x14] =	wrdreg s26;
	s7 =	smax.u32 s8, $0x1;
	s8 =	simm.s32 $0x2;
	v14 =	vor.u32 s20, v18;
	v15 =	vor.u32 s25, v18;
	v18 =	vor.u32 $0x8, v18  }
.LBB2_1:
0x1d: {  	s19 =	rddreg [dreg:$0x4]  }
0x1e: {  	[tilespmem:s2], [sflag:$0x2] =	stream.linear.gather [hbm4b:s19+s2], $0x80, $0x38;
	[tilespmem:$0x10100] =	vst v63  }
0x1f: {  	_ =	swait.ge [sflag:s8], $0x80  }
0x20: {  	[sflag:s8] =	ssyncset.done $0x0  }
0x21: {  	[sflag:s8] =	ssyncadd.s32 $0xFFFFFF80  }
0x22: {  	v19 =	vld [tilespmem:$0x0];
	_ =	sdelay $0x4  }
0x23: {  	v20 =	vadd.s32 v0, v19  }
0x24: {  	v21 =	vshll.u32 v20, $0x3  }
0x25: {  	v22 =	vand.u32 $0x7, v20;
	v21 =	vand.u32 $0xFFFFFFC0, v21  }
0x26: {  	v21 =	vor.u32 v22, v21  }
0x27: {  	v22 =	vperm.xlane v21, v16;
	_ =	sdelay $0x1  }
0x28: {  	v22 =	vadd.s32 v17, v22  }
0x29: {  	[tilespmem:$0x80] =	vst v20;
	v20 =	vadd.s32 v1, v19  }
0x2a: {  	[tilespmem:$0x90] =	vst v20;
	v20 =	vadd.s32 v2, v19  }
0x2b: {  	[tilespmem:$0xA0] =	vst v20;
	v20 =	vadd.s32 v3, v19  }
0x2c: {  	[tilespmem:$0xB0] =	vst v20  }
0x2d: {  	[tilespmem:s9], [sflag:$0x1] =	stream.indirect_vreg.gather [hbm4b:s1+s2], $0x80, v22, vm0, $0xb8;
	[tilespmem:$0x10100] =	vst v63  }
0x2e: {  	s0 =	simm.s32 $0x900;
	v20 =	vperm.xlane v21, v18  }
0x2f: {  	[tilespmem:s0], [sflag:$0x1] =	stream.indirect_vreg.gather [hbm4b:s4+s2], $0x80, v22, vm0, $0xb8;
	[tilespmem:$0x10100] =	vst v63  }
0x30: {  	s13 =	simm.s32 $0x1100;
	v20 =	vadd.s32 v17, v20  }
0x31: {  	[tilespmem:s13], [sflag:$0x1] =	stream.indirect_vreg.gather [hbm4b:s5+s2], $0x80, v22, vm0, $0xb8;
	[tilespmem:$0x10100] =	vst v63  }
0x32: {  	s14 =	simm.s32 $0x1900  }
0x33: {  	[tilespmem:s14], [sflag:$0x1] =	stream.indirect_vreg.gather [hbm4b:s6+s2], $0x80, v22, vm0, $0xb8;
	[tilespmem:$0x10100] =	vst v63  }
0x34: {  	s16 =	simm.s32 $0x2100  }
0x35: {  	[tilespmem:s16], [sflag:$0x1] =	stream.indirect_vreg.gather [hbm4b:s1+s2], $0x80, v20, vm0, $0xb8;
	[tilespmem:$0x10100] =	vst v63  }
0x36: {  	s17 =	simm.s32 $0x2900  }
0x37: {  	[tilespmem:s17], [sflag:$0x1] =	stream.indirect_vreg.gather [hbm4b:s4+s2], $0x80, v20, vm0, $0xb8;
	[tilespmem:$0x10100] =	vst v63  }
0x38: {  	s19 =	simm.s32 $0x3100  }
0x39: {  	[tilespmem:s19], [sflag:$0x1] =	stream.indirect_vreg.gather [hbm4b:s5+s2], $0x80, v20, vm0, $0xb8;
	[tilespmem:$0x10100] =	vst v63  }
0x3a: {  	s20 =	simm.s32 $0x3900  }
0x3b: {  	[tilespmem:s20], [sflag:$0x1] =	stream.indirect_vreg.gather [hbm4b:s6+s2], $0x80, v20, vm0, $0xb8;
	[tilespmem:$0x10100] =	vst v63  }
0x3c: {  	v20 =	vld [tilespmem:$0x90];
	_ =	sdelay $0x4  }
0x3d: {  	v49 =	vshll.u32 v20, $0x3  }
0x3e: {  	v20 =	vand.u32 $0x7, v20;
	v21 =	vand.u32 $0xFFFFFFC0, v49  }
0x3f: {  	v20 =	vor.u32 v20, v21  }
0x40: {  	v21 =	vperm.xlane v20, v16;
	_ =	sdelay $0x1  }
0x41: {  	v21 =	vadd.s32 v17, v21;
	_ =	sdelay $0x3  }
0x42: {  	s21 =	simm.s32 $0x4100  }
0x43: {  	[tilespmem:s21], [sflag:$0x1] =	stream.indirect_vreg.gather [hbm4b:s1+s2], $0x80, v21, vm0, $0xb8;
	[tilespmem:$0x10100] =	vst v63  }
0x44: {  	s22 =	simm.s32 $0x4900;
	v20 =	vperm.xlane v20, v18  }
0x45: {  	[tilespmem:s22], [sflag:$0x1] =	stream.indirect_vreg.gather [hbm4b:s4+s2], $0x80, v21, vm0, $0xb8;
	[tilespmem:$0x10100] =	vst v63  }
0x46: {  	s23 =	simm.s32 $0x5100;
	v20 =	vadd.s32 v17, v20  }
0x47: {  	[tilespmem:s23], [sflag:$0x1] =	stream.indirect_vreg.gather [hbm4b:s5+s2], $0x80, v21, vm0, $0xb8;
	[tilespmem:$0x10100] =	vst v63  }
0x48: {  	s24 =	simm.s32 $0x5900  }
0x49: {  	[tilespmem:s24], [sflag:$0x1] =	stream.indirect_vreg.gather [hbm4b:s6+s2], $0x80, v21, vm0, $0xb8;
	[tilespmem:$0x10100] =	vst v63  }
0x4a: {  	s25 =	simm.s32 $0x6100  }
0x4b: {  	[tilespmem:s25], [sflag:$0x1] =	stream.indirect_vreg.gather [hbm4b:s1+s2], $0x80, v20, vm0, $0xb8;
	[tilespmem:$0x10100] =	vst v63  }
0x4c: {  	s26 =	simm.s32 $0x6900  }
0x4d: {  	[tilespmem:s26], [sflag:$0x1] =	stream.indirect_vreg.gather [hbm4b:s4+s2], $0x80, v20, vm0, $0xb8;
	[tilespmem:$0x10100] =	vst v63  }
0x4e: {  	s28 =	simm.s32 $0x7100  }
0x4f: {  	[tilespmem:s28], [sflag:$0x1] =	stream.indirect_vreg.gather [hbm4b:s5+s2], $0x80, v20, vm0, $0xb8;
	[tilespmem:$0x10100] =	vst v63  }
0x50: {  	s29 =	simm.s32 $0x7900  }
0x51: {  	[tilespmem:s29], [sflag:$0x1] =	stream.indirect_vreg.gather [hbm4b:s6+s2], $0x80, v20, vm0, $0xb8;
	[tilespmem:$0x10100] =	vst v63  }
0x52: {  	v20 =	vld [tilespmem:$0xA0];
	_ =	sdelay $0x4  }
0x53: {  	v50 =	vshll.u32 v20, $0x3  }
0x54: {  	v20 =	vand.u32 $0x7, v20;
	v21 =	vand.u32 $0xFFFFFFC0, v50  }
0x55: {  	v20 =	vor.u32 v20, v21  }
0x56: {  	v21 =	vperm.xlane v20, v16;
	_ =	sdelay $0x1  }
0x57: {  	v21 =	vadd.s32 v17, v21;
	_ =	sdelay $0x3  }
0x58: {  	s30 =	simm.s32 $0x8100  }
0x59: {  	[tilespmem:s30], [sflag:$0x1] =	stream.indirect_vreg.gather [hbm4b:s1+s2], $0x80, v21, vm0, $0xb8;
	[tilespmem:$0x10100] =	vst v63  }
0x5a: {  	s31 =	simm.s32 $0x8900;
	v20 =	vperm.xlane v20, v18  }
0x5b: {  	[tilespmem:s31], [sflag:$0x1] =	stream.indirect_vreg.gather [hbm4b:s4+s2], $0x80, v21, vm0, $0xb8;
	[tilespmem:$0x10100] =	vst v63  }
0x5c: {  	s17 =	simm.s32 $0x9100;
	v20 =	vadd.s32 v17, v20  }
0x5d: {  	[tilespmem:s17], [sflag:$0x1] =	stream.indirect_vreg.gather [hbm4b:s5+s2], $0x80, v21, vm0, $0xb8;
	[tilespmem:$0x10100] =	vst v63  }
0x5e: {  	s19 =	simm.s32 $0x9900  }
0x5f: {  	[tilespmem:s19], [sflag:$0x1] =	stream.indirect_vreg.gather [hbm4b:s6+s2], $0x80, v21, vm0, $0xb8;
	[tilespmem:$0x10100] =	vst v63  }
0x60: {  	s21 =	simm.s32 $0xA100  }
0x61: {  	[tilespmem:s21], [sflag:$0x1] =	stream.indirect_vreg.gather [hbm4b:s1+s2], $0x80, v20, vm0, $0xb8;
	[tilespmem:$0x10100] =	vst v63  }
0x62: {  	s22 =	simm.s32 $0xA900  }
0x63: {  	[tilespmem:s22], [sflag:$0x1] =	stream.indirect_vreg.gather [hbm4b:s4+s2], $0x80, v20, vm0, $0xb8;
	[tilespmem:$0x10100] =	vst v63  }
0x64: {  	s23 =	simm.s32 $0xB100  }
0x65: {  	[tilespmem:s23], [sflag:$0x1] =	stream.indirect_vreg.gather [hbm4b:s5+s2], $0x80, v20, vm0, $0xb8;
	[tilespmem:$0x10100] =	vst v63  }
0x66: {  	s24 =	simm.s32 $0xB900  }
0x67: {  	[tilespmem:s24], [sflag:$0x1] =	stream.indirect_vreg.gather [hbm4b:s6+s2], $0x80, v20, vm0, $0xb8;
	[tilespmem:$0x10100] =	vst v63  }
0x68: {  	v20 =	vld [tilespmem:$0xB0];
	_ =	sdelay $0x4  }
0x69: {  	v51 =	vshll.u32 v20, $0x3  }
0x6a: {  	v20 =	vand.u32 $0x7, v20;
	v21 =	vand.u32 $0xFFFFFFC0, v51  }
0x6b: {  	v20 =	vor.u32 v20, v21  }
0x6c: {  	v21 =	vperm.xlane v20, v16;
	_ =	sdelay $0x1  }
0x6d: {  	v21 =	vadd.s32 v17, v21;
	_ =	sdelay $0x3  }
0x6e: {  	s25 =	simm.s32 $0xC100  }
0x6f: {  	[tilespmem:s25], [sflag:$0x1] =	stream.indirect_vreg.gather [hbm4b:s1+s2], $0x80, v21, vm0, $0xb8;
	[tilespmem:$0x10100] =	vst v63  }
0x70: {  	s26 =	simm.s32 $0xC900;
	v20 =	vperm.xlane v20, v18  }
0x71: {  	[tilespmem:s26], [sflag:$0x1] =	stream.indirect_vreg.gather [hbm4b:s4+s2], $0x80, v21, vm0, $0xb8;
	[tilespmem:$0x10100] =	vst v63  }
0x72: {  	s28 =	simm.s32 $0xD100;
	v20 =	vadd.s32 v17, v20  }
0x73: {  	[tilespmem:s28], [sflag:$0x1] =	stream.indirect_vreg.gather [hbm4b:s5+s2], $0x80, v21, vm0, $0xb8;
	[tilespmem:$0x10100] =	vst v63  }
0x74: {  	s29 =	simm.s32 $0xD900  }
0x75: {  	[tilespmem:s29], [sflag:$0x1] =	stream.indirect_vreg.gather [hbm4b:s6+s2], $0x80, v21, vm0, $0xb8;
	[tilespmem:$0x10100] =	vst v63  }
0x76: {  	s0 =	simm.s32 $0xE100  }
0x77: {  	[tilespmem:s0], [sflag:$0x1] =	stream.indirect_vreg.gather [hbm4b:s1+s2], $0x80, v20, vm0, $0xb8;
	[tilespmem:$0x10100] =	vst v63  }
0x78: {  	s17 =	simm.s32 $0xE900  }
0x79: {  	[tilespmem:s17], [sflag:$0x1] =	stream.indirect_vreg.gather [hbm4b:s4+s2], $0x80, v20, vm0, $0xb8;
	[tilespmem:$0x10100] =	vst v63  }
0x7a: {  	s23 =	simm.s32 $0xF100  }
0x7b: {  	[tilespmem:s23], [sflag:$0x1] =	stream.indirect_vreg.gather [hbm4b:s5+s2], $0x80, v20, vm0, $0xb8;
	[tilespmem:$0x10100] =	vst v63  }
0x7c: {  	s25 =	simm.s32 $0xF900  }
0x7d: {  	[tilespmem:s25], [sflag:$0x1] =	stream.indirect_vreg.gather [hbm4b:s6+s2], $0x80, v20, vm0, $0xb8;
	[tilespmem:$0x10100] =	vst v63  }
0x7e: {  	_ =	swait.ge [sflag:s18], $0x10000  }
0x7f: {  	[sflag:s18] =	ssyncset.done $0x0  }
0x80: {  	s26 =	rddreg [dreg:$0x5];
	[sflag:s18] =	ssyncadd.s32 $0xFFFF0000  }
0x81: {  	[hbm4b:s26+s2] =	stream.linear.scatter [tilespmem:s9], [sflag:$0x2], $0x10000, $0x38;
	[tilespmem:$0x10100] =	vst v63  }
0x82: {  	_ =	swait.ge [sflag:s8], $0x10000  }
0x83: {  	[sflag:s8] =	ssyncset.done $0x0  }
0x84: {  	s29 =	rddreg [dreg:$0x6];
	[sflag:s8] =	ssyncadd.s32 $0xFFFF0000  }
0x85: {  	[hbm4b:s29+s2] =	stream.linear.scatter [tilespmem:s9], [sflag:$0x2], $0x10000, $0x38;
	[tilespmem:$0x10100] =	vst v63  }
0x86: {  	_ =	swait.ge [sflag:s8], $0x10000  }
0x87: {  	[sflag:s8] =	ssyncset.done $0x0  }
0x88: {  	s0 =	rddreg [dreg:$0x7];
	[sflag:s8] =	ssyncadd.s32 $0xFFFF0000  }
0x89: {  	[hbm4b:s0+s2] =	stream.linear.scatter [tilespmem:s9], [sflag:$0x2], $0x10000, $0x38;
	[tilespmem:$0x10100] =	vst v63  }
0x8a: {  	v20 =	vadd.s32 v4, v19;
	_ =	swait.ge [sflag:s8], $0x10000  }
0x8b: {  	v52 =	vshll.u32 v20, $0x3;
	[sflag:s8] =	ssyncset.done $0x0  }
0x8c: {  	v53 =	vand.u32 $0x7, v20;
	v21 =	vand.u32 $0xFFFFFFC0, v52;
	s17 =	rddreg [dreg:$0x8];
	[sflag:s8] =	ssyncadd.s32 $0xFFFF0000  }
0x8d: {  	v21 =	vor.u32 v53, v21;
	[hbm4b:s17+s2] =	stream.linear.scatter [tilespmem:s9], [sflag:$0x2], $0x10000, $0x38;
	[tilespmem:$0x10100] =	vst v63  }
0x8e: {  	v22 =	vperm.xlane v21, v16;
	_ =	swait.ge [sflag:s8], $0x10000  }
0x8f: {  	[sflag:s8] =	ssyncset.done $0x0  }
0x90: {  	v22 =	vadd.s32 v17, v22;
	[sflag:s8] =	ssyncadd.s32 $0xFFFF0000  }
0x91: {  	[tilespmem:$0x80] =	vst v20;
	v20 =	vadd.s32 v5, v19  }
0x92: {  	[tilespmem:$0x90] =	vst v20;
	v20 =	vadd.s32 v6, v19  }
0x93: {  	[tilespmem:$0xA0] =	vst v20;
	v20 =	vadd.s32 v7, v19  }
0x94: {  	[tilespmem:$0xB0] =	vst v20  }
0x95: {  	[tilespmem:s9], [sflag:$0x1] =	stream.indirect_vreg.gather [hbm4b:s1+s2], $0x80, v22, vm0, $0xb8;
	[tilespmem:$0x10100] =	vst v63  }
0x96: {  	s15 =	simm.s32 $0x900;
	v20 =	vperm.xlane v21, v18  }
0x97: {  	[tilespmem:s15], [sflag:$0x1] =	stream.indirect_vreg.gather [hbm4b:s4+s2], $0x80, v22, vm0, $0xb8;
	[tilespmem:$0x10100] =	vst v63  }
0x98: {  	s3 =	simm.s32 $0x1100;
	v20 =	vadd.s32 v17, v20  }
0x99: {  	[tilespmem:s3], [sflag:$0x1] =	stream.indirect_vreg.gather [hbm4b:s5+s2], $0x80, v22, vm0, $0xb8;
	[tilespmem:$0x10100] =	vst v63  }
0x9a: {  	s10 =	simm.s32 $0x1900  }
0x9b: {  	[tilespmem:s10], [sflag:$0x1] =	stream.indirect_vreg.gather [hbm4b:s6+s2], $0x80, v22, vm0, $0xb8;
	[tilespmem:$0x10100] =	vst v63  }
0x9c: {  	s11 =	simm.s32 $0x2100  }
0x9d: {  	[tilespmem:s11], [sflag:$0x1] =	stream.indirect_vreg.gather [hbm4b:s1+s2], $0x80, v20, vm0, $0xb8;
	[tilespmem:$0x10100] =	vst v63  }
0x9e: {  	s12 =	simm.s32 $0x2900  }
0x9f: {  	[tilespmem:s12], [sflag:$0x1] =	stream.indirect_vreg.gather [hbm4b:s4+s2], $0x80, v20, vm0, $0xb8;
	[tilespmem:$0x10100] =	vst v63  }
0xa0: {  	s13 =	simm.s32 $0x3100  }
0xa1: {  	[tilespmem:s13], [sflag:$0x1] =	stream.indirect_vreg.gather [hbm4b:s5+s2], $0x80, v20, vm0, $0xb8;
	[tilespmem:$0x10100] =	vst v63  }
0xa2: {  	s16 =	simm.s32 $0x3900  }
0xa3: {  	[tilespmem:s16], [sflag:$0x1] =	stream.indirect_vreg.gather [hbm4b:s6+s2], $0x80, v20, vm0, $0xb8;
	[tilespmem:$0x10100] =	vst v63  }
0xa4: {  	v20 =	vld [tilespmem:$0x90];
	_ =	sdelay $0x4  }
0xa5: {  	v54 =	vshll.u32 v20, $0x3  }
0xa6: {  	v20 =	vand.u32 $0x7, v20;
	v21 =	vand.u32 $0xFFFFFFC0, v54  }
0xa7: {  	v20 =	vor.u32 v20, v21  }
0xa8: {  	v21 =	vperm.xlane v20, v16;
	_ =	sdelay $0x1  }
0xa9: {  	v21 =	vadd.s32 v17, v21;
	_ =	sdelay $0x3  }
0xaa: {  	s17 =	simm.s32 $0x4100  }
0xab: {  	[tilespmem:s17], [sflag:$0x1] =	stream.indirect_vreg.gather [hbm4b:s1+s2], $0x80, v21, vm0, $0xb8;
	[tilespmem:$0x10100] =	vst v63  }
0xac: {  	s20 =	simm.s32 $0x4900;
	v20 =	vperm.xlane v20, v18  }
0xad: {  	[tilespmem:s20], [sflag:$0x1] =	stream.indirect_vreg.gather [hbm4b:s4+s2], $0x80, v21, vm0, $0xb8;
	[tilespmem:$0x10100] =	vst v63  }
0xae: {  	s14 =	simm.s32 $0x5100;
	v20 =	vadd.s32 v17, v20  }
0xaf: {  	[tilespmem:s14], [sflag:$0x1] =	stream.indirect_vreg.gather [hbm4b:s5+s2], $0x80, v21, vm0, $0xb8;
	[tilespmem:$0x10100] =	vst v63  }
0xb0: {  	s0 =	simm.s32 $0x5900  }
0xb1: {  	[tilespmem:s0], [sflag:$0x1] =	stream.indirect_vreg.gather [hbm4b:s6+s2], $0x80, v21, vm0, $0xb8;
	[tilespmem:$0x10100] =	vst v63  }
0xb2: {  	s20 =	simm.s32 $0x6100  }
0xb3: {  	[tilespmem:s20], [sflag:$0x1] =	stream.indirect_vreg.gather [hbm4b:s1+s2], $0x80, v20, vm0, $0xb8;
	[tilespmem:$0x10100] =	vst v63  }
0xb4: {  	s3 =	simm.s32 $0x6900  }
0xb5: {  	[tilespmem:s3], [sflag:$0x1] =	stream.indirect_vreg.gather [hbm4b:s4+s2], $0x80, v20, vm0, $0xb8;
	[tilespmem:$0x10100] =	vst v63  }
0xb6: {  	s10 =	simm.s32 $0x7100  }
0xb7: {  	[tilespmem:s10], [sflag:$0x1] =	stream.indirect_vreg.gather [hbm4b:s5+s2], $0x80, v20, vm0, $0xb8;
	[tilespmem:$0x10100] =	vst v63  }
0xb8: {  	s14 =	simm.s32 $0x7900  }
0xb9: {  	[tilespmem:s14], [sflag:$0x1] =	stream.indirect_vreg.gather [hbm4b:s6+s2], $0x80, v20, vm0, $0xb8;
	[tilespmem:$0x10100] =	vst v63  }
0xba: {  	v20 =	vld [tilespmem:$0xA0];
	_ =	sdelay $0x4  }
0xbb: {  	v55 =	vshll.u32 v20, $0x3  }
0xbc: {  	v20 =	vand.u32 $0x7, v20;
	v21 =	vand.u32 $0xFFFFFFC0, v55  }
0xbd: {  	v20 =	vor.u32 v20, v21  }
0xbe: {  	v21 =	vperm.xlane v20, v16;
	_ =	sdelay $0x1  }
0xbf: {  	v21 =	vadd.s32 v17, v21;
	_ =	sdelay $0x3  }
0xc0: {  	s15 =	simm.s32 $0x8100  }
0xc1: {  	[tilespmem:s15], [sflag:$0x1] =	stream.indirect_vreg.gather [hbm4b:s1+s2], $0x80, v21, vm0, $0xb8;
	[tilespmem:$0x10100] =	vst v63  }
0xc2: {  	s16 =	simm.s32 $0x8900;
	v20 =	vperm.xlane v20, v18  }
0xc3: {  	[tilespmem:s16], [sflag:$0x1] =	stream.indirect_vreg.gather [hbm4b:s4+s2], $0x80, v21, vm0, $0xb8;
	[tilespmem:$0x10100] =	vst v63  }
0xc4: {  	s11 =	simm.s32 $0x9100;
	v20 =	vadd.s32 v17, v20  }
0xc5: {  	[tilespmem:s11], [sflag:$0x1] =	stream.indirect_vreg.gather [hbm4b:s5+s2], $0x80, v21, vm0, $0xb8;
	[tilespmem:$0x10100] =	vst v63  }
0xc6: {  	s12 =	simm.s32 $0x9900  }
0xc7: {  	[tilespmem:s12], [sflag:$0x1] =	stream.indirect_vreg.gather [hbm4b:s6+s2], $0x80, v21, vm0, $0xb8;
	[tilespmem:$0x10100] =	vst v63  }
0xc8: {  	s13 =	simm.s32 $0xA100  }
0xc9: {  	[tilespmem:s13], [sflag:$0x1] =	stream.indirect_vreg.gather [hbm4b:s1+s2], $0x80, v20, vm0, $0xb8;
	[tilespmem:$0x10100] =	vst v63  }
0xca: {  	s30 =	simm.s32 $0xA900  }
0xcb: {  	[tilespmem:s30], [sflag:$0x1] =	stream.indirect_vreg.gather [hbm4b:s4+s2], $0x80, v20, vm0, $0xb8;
	[tilespmem:$0x10100] =	vst v63  }
0xcc: {  	s31 =	simm.s32 $0xB100  }
0xcd: {  	[tilespmem:s31], [sflag:$0x1] =	stream.indirect_vreg.gather [hbm4b:s5+s2], $0x80, v20, vm0, $0xb8;
	[tilespmem:$0x10100] =	vst v63  }
0xce: {  	s24 =	simm.s32 $0xB900  }
0xcf: {  	[tilespmem:s24], [sflag:$0x1] =	stream.indirect_vreg.gather [hbm4b:s6+s2], $0x80, v20, vm0, $0xb8;
	[tilespmem:$0x10100] =	vst v63  }
0xd0: {  	v20 =	vld [tilespmem:$0xB0];
	_ =	sdelay $0x4  }
0xd1: {  	v56 =	vshll.u32 v20, $0x3  }
0xd2: {  	v20 =	vand.u32 $0x7, v20;
	v21 =	vand.u32 $0xFFFFFFC0, v56  }
0xd3: {  	v20 =	vor.u32 v20, v21  }
0xd4: {  	v21 =	vperm.xlane v20, v16;
	_ =	sdelay $0x1  }
0xd5: {  	v21 =	vadd.s32 v17, v21;
	_ =	sdelay $0x3  }
0xd6: {  	s21 =	simm.s32 $0xC100  }
0xd7: {  	[tilespmem:s21], [sflag:$0x1] =	stream.indirect_vreg.gather [hbm4b:s1+s2], $0x80, v21, vm0, $0xb8;
	[tilespmem:$0x10100] =	vst v63  }
0xd8: {  	s22 =	simm.s32 $0xC900;
	v20 =	vperm.xlane v20, v18  }
0xd9: {  	[tilespmem:s22], [sflag:$0x1] =	stream.indirect_vreg.gather [hbm4b:s4+s2], $0x80, v21, vm0, $0xb8;
	[tilespmem:$0x10100] =	vst v63  }
0xda: {  	s28 =	simm.s32 $0xD100;
	v20 =	vadd.s32 v17, v20  }
0xdb: {  	[tilespmem:s28], [sflag:$0x1] =	stream.indirect_vreg.gather [hbm4b:s5+s2], $0x80, v21, vm0, $0xb8;
	[tilespmem:$0x10100] =	vst v63  }
0xdc: {  	s22 =	simm.s32 $0xD900  }
0xdd: {  	[tilespmem:s22], [sflag:$0x1] =	stream.indirect_vreg.gather [hbm4b:s6+s2], $0x80, v21, vm0, $0xb8;
	[tilespmem:$0x10100] =	vst v63  }
0xde: {  	s24 =	simm.s32 $0xE100  }
0xdf: {  	[tilespmem:s24], [sflag:$0x1] =	stream.indirect_vreg.gather [hbm4b:s1+s2], $0x80, v20, vm0, $0xb8;
	[tilespmem:$0x10100] =	vst v63  }
0xe0: {  	s30 =	simm.s32 $0xE900  }
0xe1: {  	[tilespmem:s30], [sflag:$0x1] =	stream.indirect_vreg.gather [hbm4b:s4+s2], $0x80, v20, vm0, $0xb8;
	[tilespmem:$0x10100] =	vst v63  }
0xe2: {  	s31 =	simm.s32 $0xF100  }
0xe3: {  	[tilespmem:s31], [sflag:$0x1] =	stream.indirect_vreg.gather [hbm4b:s5+s2], $0x80, v20, vm0, $0xb8;
	[tilespmem:$0x10100] =	vst v63  }
0xe4: {  	s23 =	simm.s32 $0xF900  }
0xe5: {  	[tilespmem:s23], [sflag:$0x1] =	stream.indirect_vreg.gather [hbm4b:s6+s2], $0x80, v20, vm0, $0xb8;
	[tilespmem:$0x10100] =	vst v63  }
0xe6: {  	_ =	swait.ge [sflag:s18], $0x10000  }
0xe7: {  	[sflag:s18] =	ssyncset.done $0x0  }
0xe8: {  	s24 =	rddreg [dreg:$0x9];
	[sflag:s18] =	ssyncadd.s32 $0xFFFF0000  }
0xe9: {  	[hbm4b:s24+s2] =	stream.linear.scatter [tilespmem:s9], [sflag:$0x2], $0x10000, $0x38;
	[tilespmem:$0x10100] =	vst v63  }
0xea: {  	_ =	swait.ge [sflag:s8], $0x10000  }
0xeb: {  	[sflag:s8] =	ssyncset.done $0x0  }
0xec: {  	s23 =	rddreg [dreg:$0xa];
	[sflag:s8] =	ssyncadd.s32 $0xFFFF0000  }
0xed: {  	[hbm4b:s23+s2] =	stream.linear.scatter [tilespmem:s9], [sflag:$0x2], $0x10000, $0x38;
	[tilespmem:$0x10100] =	vst v63  }
0xee: {  	_ =	swait.ge [sflag:s8], $0x10000  }
0xef: {  	[sflag:s8] =	ssyncset.done $0x0  }
0xf0: {  	s24 =	rddreg [dreg:$0xb];
	[sflag:s8] =	ssyncadd.s32 $0xFFFF0000  }
0xf1: {  	[hbm4b:s24+s2] =	stream.linear.scatter [tilespmem:s9], [sflag:$0x2], $0x10000, $0x38;
	[tilespmem:$0x10100] =	vst v63  }
0xf2: {  	v20 =	vadd.s32 v8, v19;
	_ =	swait.ge [sflag:s8], $0x10000  }
0xf3: {  	v57 =	vshll.u32 v20, $0x3;
	[sflag:s8] =	ssyncset.done $0x0  }
0xf4: {  	v58 =	vand.u32 $0x7, v20;
	v21 =	vand.u32 $0xFFFFFFC0, v57;
	s23 =	rddreg [dreg:$0xc];
	[sflag:s8] =	ssyncadd.s32 $0xFFFF0000  }
0xf5: {  	v21 =	vor.u32 v58, v21;
	[hbm4b:s23+s2] =	stream.linear.scatter [tilespmem:s9], [sflag:$0x2], $0x10000, $0x38;
	[tilespmem:$0x10100] =	vst v63  }
0xf6: {  	v22 =	vperm.xlane v21, v16;
	_ =	swait.ge [sflag:s8], $0x10000  }
0xf7: {  	[sflag:s8] =	ssyncset.done $0x0  }
0xf8: {  	v22 =	vadd.s32 v17, v22;
	[sflag:s8] =	ssyncadd.s32 $0xFFFF0000  }
0xf9: {  	[tilespmem:$0x80] =	vst v20;
	v20 =	vadd.s32 v9, v19  }
0xfa: {  	[tilespmem:$0x90] =	vst v20;
	v20 =	vadd.s32 v10, v19  }
0xfb: {  	[tilespmem:$0xA0] =	vst v20;
	v20 =	vadd.s32 v11, v19  }
0xfc: {  	[tilespmem:$0xB0] =	vst v20  }
0xfd: {  	[tilespmem:s9], [sflag:$0x1] =	stream.indirect_vreg.gather [hbm4b:s1+s2], $0x80, v22, vm0, $0xb8;
	[tilespmem:$0x10100] =	vst v63  }
0xfe: {  	s24 =	simm.s32 $0x900;
	v20 =	vperm.xlane v21, v18  }
0xff: {  	[tilespmem:s24], [sflag:$0x1] =	stream.indirect_vreg.gather [hbm4b:s4+s2], $0x80, v22, vm0, $0xb8;
	[tilespmem:$0x10100] =	vst v63  }
0x100: {  	s26 =	simm.s32 $0x1100;
	v20 =	vadd.s32 v17, v20  }
0x101: {  	[tilespmem:s26], [sflag:$0x1] =	stream.indirect_vreg.gather [hbm4b:s5+s2], $0x80, v22, vm0, $0xb8;
	[tilespmem:$0x10100] =	vst v63  }
0x102: {  	s29 =	simm.s32 $0x1900  }
0x103: {  	[tilespmem:s29], [sflag:$0x1] =	stream.indirect_vreg.gather [hbm4b:s6+s2], $0x80, v22, vm0, $0xb8;
	[tilespmem:$0x10100] =	vst v63  }
0x104: {  	s26 =	simm.s32 $0x2100  }
0x105: {  	[tilespmem:s26], [sflag:$0x1] =	stream.indirect_vreg.gather [hbm4b:s1+s2], $0x80, v20, vm0, $0xb8;
	[tilespmem:$0x10100] =	vst v63  }
0x106: {  	s29 =	simm.s32 $0x2900  }
0x107: {  	[tilespmem:s29], [sflag:$0x1] =	stream.indirect_vreg.gather [hbm4b:s4+s2], $0x80, v20, vm0, $0xb8;
	[tilespmem:$0x10100] =	vst v63  }
0x108: {  	s23 =	simm.s32 $0x3100  }
0x109: {  	[tilespmem:s23], [sflag:$0x1] =	stream.indirect_vreg.gather [hbm4b:s5+s2], $0x80, v20, vm0, $0xb8;
	[tilespmem:$0x10100] =	vst v63  }
0x10a: {  	s26 =	simm.s32 $0x3900  }
0x10b: {  	[tilespmem:s26], [sflag:$0x1] =	stream.indirect_vreg.gather [hbm4b:s6+s2], $0x80, v20, vm0, $0xb8;
	[tilespmem:$0x10100] =	vst v63  }
0x10c: {  	v20 =	vld [tilespmem:$0x90];
	_ =	sdelay $0x4  }
0x10d: {  	v59 =	vshll.u32 v20, $0x3  }
0x10e: {  	v20 =	vand.u32 $0x7, v20;
	v21 =	vand.u32 $0xFFFFFFC0, v59  }
0x10f: {  	v20 =	vor.u32 v20, v21  }
0x110: {  	v21 =	vperm.xlane v20, v16;
	_ =	sdelay $0x1  }
0x111: {  	v21 =	vadd.s32 v17, v21;
	_ =	sdelay $0x4  }
0x112: {  	[tilespmem:s17], [sflag:$0x1] =	stream.indirect_vreg.gather [hbm4b:s1+s2], $0x80, v21, vm0, $0xb8;
	[tilespmem:$0x10100] =	vst v63  }
0x113: {  	s29 =	simm.s32 $0x4900;
	v20 =	vperm.xlane v20, v18  }
0x114: {  	[tilespmem:s29], [sflag:$0x1] =	stream.indirect_vreg.gather [hbm4b:s4+s2], $0x80, v21, vm0, $0xb8;
	[tilespmem:$0x10100] =	vst v63  }
0x115: {  	s23 =	simm.s32 $0x5100;
	v20 =	vadd.s32 v17, v20  }
0x116: {  	[tilespmem:s23], [sflag:$0x1] =	stream.indirect_vreg.gather [hbm4b:s5+s2], $0x80, v21, vm0, $0xb8;
	[tilespmem:$0x10100] =	vst v63  }
0x117: {  	_ = 	snop  }
0x118: {  	[tilespmem:s0], [sflag:$0x1] =	stream.indirect_vreg.gather [hbm4b:s6+s2], $0x80, v21, vm0, $0xb8;
	[tilespmem:$0x10100] =	vst v63  }
0x119: {  	_ = 	snop  }
0x11a: {  	[tilespmem:s20], [sflag:$0x1] =	stream.indirect_vreg.gather [hbm4b:s1+s2], $0x80, v20, vm0, $0xb8;
	[tilespmem:$0x10100] =	vst v63  }
0x11b: {  	_ = 	snop  }
0x11c: {  	[tilespmem:s3], [sflag:$0x1] =	stream.indirect_vreg.gather [hbm4b:s4+s2], $0x80, v20, vm0, $0xb8;
	[tilespmem:$0x10100] =	vst v63  }
0x11d: {  	_ = 	snop  }
0x11e: {  	[tilespmem:s10], [sflag:$0x1] =	stream.indirect_vreg.gather [hbm4b:s5+s2], $0x80, v20, vm0, $0xb8;
	[tilespmem:$0x10100] =	vst v63  }
0x11f: {  	_ = 	snop  }
0x120: {  	[tilespmem:s14], [sflag:$0x1] =	stream.indirect_vreg.gather [hbm4b:s6+s2], $0x80, v20, vm0, $0xb8;
	[tilespmem:$0x10100] =	vst v63  }
0x121: {  	v20 =	vld [tilespmem:$0xA0];
	_ =	sdelay $0x4  }
0x122: {  	v60 =	vshll.u32 v20, $0x3  }
0x123: {  	v20 =	vand.u32 $0x7, v20;
	v21 =	vand.u32 $0xFFFFFFC0, v60  }
0x124: {  	v20 =	vor.u32 v20, v21  }
0x125: {  	v21 =	vperm.xlane v20, v16;
	_ =	sdelay $0x1  }
0x126: {  	v21 =	vadd.s32 v17, v21;
	_ =	sdelay $0x4  }
0x127: {  	[tilespmem:s15], [sflag:$0x1] =	stream.indirect_vreg.gather [hbm4b:s1+s2], $0x80, v21, vm0, $0xb8;
	[tilespmem:$0x10100] =	vst v63  }
0x128: {  	v20 =	vperm.xlane v20, v18  }
0x129: {  	[tilespmem:s16], [sflag:$0x1] =	stream.indirect_vreg.gather [hbm4b:s4+s2], $0x80, v21, vm0, $0xb8;
	[tilespmem:$0x10100] =	vst v63  }
0x12a: {  	v20 =	vadd.s32 v17, v20  }
0x12b: {  	[tilespmem:s11], [sflag:$0x1] =	stream.indirect_vreg.gather [hbm4b:s5+s2], $0x80, v21, vm0, $0xb8;
	[tilespmem:$0x10100] =	vst v63  }
0x12c: {  	_ = 	snop  }
0x12d: {  	[tilespmem:s12], [sflag:$0x1] =	stream.indirect_vreg.gather [hbm4b:s6+s2], $0x80, v21, vm0, $0xb8;
	[tilespmem:$0x10100] =	vst v63  }
0x12e: {  	_ = 	snop  }
0x12f: {  	[tilespmem:s13], [sflag:$0x1] =	stream.indirect_vreg.gather [hbm4b:s1+s2], $0x80, v20, vm0, $0xb8;
	[tilespmem:$0x10100] =	vst v63  }
0x130: {  	s25 =	simm.s32 $0xA900  }
0x131: {  	[tilespmem:s25], [sflag:$0x1] =	stream.indirect_vreg.gather [hbm4b:s4+s2], $0x80, v20, vm0, $0xb8;
	[tilespmem:$0x10100] =	vst v63  }
0x132: {  	s26 =	simm.s32 $0xB100  }
0x133: {  	[tilespmem:s26], [sflag:$0x1] =	stream.indirect_vreg.gather [hbm4b:s5+s2], $0x80, v20, vm0, $0xb8;
	[tilespmem:$0x10100] =	vst v63  }
0x134: {  	s20 =	simm.s32 $0xB900  }
0x135: {  	[tilespmem:s20], [sflag:$0x1] =	stream.indirect_vreg.gather [hbm4b:s6+s2], $0x80, v20, vm0, $0xb8;
	[tilespmem:$0x10100] =	vst v63  }
0x136: {  	v20 =	vld [tilespmem:$0xB0];
	_ =	sdelay $0x4  }
0x137: {  	v61 =	vshll.u32 v20, $0x3  }
0x138: {  	v20 =	vand.u32 $0x7, v20;
	v21 =	vand.u32 $0xFFFFFFC0, v61  }
0x139: {  	v20 =	vor.u32 v20, v21  }
0x13a: {  	v21 =	vperm.xlane v20, v16;
	_ =	sdelay $0x1  }
0x13b: {  	v21 =	vadd.s32 v17, v21;
	_ =	sdelay $0x3  }
0x13c: {  	s25 =	simm.s32 $0xC100  }
0x13d: {  	[tilespmem:s25], [sflag:$0x1] =	stream.indirect_vreg.gather [hbm4b:s1+s2], $0x80, v21, vm0, $0xb8;
	[tilespmem:$0x10100] =	vst v63  }
0x13e: {  	s26 =	simm.s32 $0xC900;
	v20 =	vperm.xlane v20, v18  }
0x13f: {  	[tilespmem:s26], [sflag:$0x1] =	stream.indirect_vreg.gather [hbm4b:s4+s2], $0x80, v21, vm0, $0xb8;
	[tilespmem:$0x10100] =	vst v63  }
0x140: {  	s21 =	simm.s32 $0xD100;
	v20 =	vadd.s32 v17, v20  }
0x141: {  	[tilespmem:s21], [sflag:$0x1] =	stream.indirect_vreg.gather [hbm4b:s5+s2], $0x80, v21, vm0, $0xb8;
	[tilespmem:$0x10100] =	vst v63  }
0x142: {  	s28 =	simm.s32 $0xD900  }
0x143: {  	[tilespmem:s28], [sflag:$0x1] =	stream.indirect_vreg.gather [hbm4b:s6+s2], $0x80, v21, vm0, $0xb8;
	[tilespmem:$0x10100] =	vst v63  }
0x144: {  	s22 =	simm.s32 $0xE100  }
0x145: {  	[tilespmem:s22], [sflag:$0x1] =	stream.indirect_vreg.gather [hbm4b:s1+s2], $0x80, v20, vm0, $0xb8;
	[tilespmem:$0x10100] =	vst v63  }
0x146: {  	s30 =	simm.s32 $0xE900  }
0x147: {  	[tilespmem:s30], [sflag:$0x1] =	stream.indirect_vreg.gather [hbm4b:s4+s2], $0x80, v20, vm0, $0xb8;
	[tilespmem:$0x10100] =	vst v63  }
0x148: {  	s31 =	simm.s32 $0xF100  }
0x149: {  	[tilespmem:s31], [sflag:$0x1] =	stream.indirect_vreg.gather [hbm4b:s5+s2], $0x80, v20, vm0, $0xb8;
	[tilespmem:$0x10100] =	vst v63  }
0x14a: {  	s28 =	simm.s32 $0xF900  }
0x14b: {  	[tilespmem:s28], [sflag:$0x1] =	stream.indirect_vreg.gather [hbm4b:s6+s2], $0x80, v20, vm0, $0xb8;
	[tilespmem:$0x10100] =	vst v63  }
0x14c: {  	_ =	swait.ge [sflag:s18], $0x10000  }
0x14d: {  	[sflag:s18] =	ssyncset.done $0x0  }
0x14e: {  	s30 =	rddreg [dreg:$0xd];
	[sflag:s18] =	ssyncadd.s32 $0xFFFF0000  }
0x14f: {  	[hbm4b:s30+s2] =	stream.linear.scatter [tilespmem:s9], [sflag:$0x2], $0x10000, $0x38;
	[tilespmem:$0x10100] =	vst v63  }
0x150: {  	_ =	swait.ge [sflag:s8], $0x10000  }
0x151: {  	[sflag:s8] =	ssyncset.done $0x0  }
0x152: {  	s31 =	rddreg [dreg:$0xe];
	[sflag:s8] =	ssyncadd.s32 $0xFFFF0000  }
0x153: {  	[hbm4b:s31+s2] =	stream.linear.scatter [tilespmem:s9], [sflag:$0x2], $0x10000, $0x38;
	[tilespmem:$0x10100] =	vst v63  }
0x154: {  	_ =	swait.ge [sflag:s8], $0x10000  }
0x155: {  	[sflag:s8] =	ssyncset.done $0x0  }
0x156: {  	s30 =	rddreg [dreg:$0xf];
	[sflag:s8] =	ssyncadd.s32 $0xFFFF0000  }
0x157: {  	[hbm4b:s30+s2] =	stream.linear.scatter [tilespmem:s9], [sflag:$0x2], $0x10000, $0x38;
	[tilespmem:$0x10100] =	vst v63  }
0x158: {  	v20 =	vadd.s32 v12, v19;
	_ =	swait.ge [sflag:s8], $0x10000  }
0x159: {  	v62 =	vshll.u32 v20, $0x3;
	[sflag:s8] =	ssyncset.done $0x0  }
0x15a: {  	v63 =	vand.u32 $0x7, v20;
	v21 =	vand.u32 $0xFFFFFFC0, v62;
	s31 =	rddreg [dreg:$0x10];
	[sflag:s8] =	ssyncadd.s32 $0xFFFF0000  }
0x15b: {  	v21 =	vor.u32 v63, v21;
	[hbm4b:s31+s2] =	stream.linear.scatter [tilespmem:s9], [sflag:$0x2], $0x10000, $0x38;
	[tilespmem:$0x10100] =	vst v63  }
0x15c: {  	v22 =	vperm.xlane v21, v16;
	_ =	swait.ge [sflag:s8], $0x10000  }
0x15d: {  	[sflag:s8] =	ssyncset.done $0x0  }
0x15e: {  	v22 =	vadd.s32 v17, v22;
	[sflag:s8] =	ssyncadd.s32 $0xFFFF0000  }
0x15f: {  	[tilespmem:$0x80] =	vst v20;
	v20 =	vadd.s32 v13, v19  }
0x160: {  	[tilespmem:$0x90] =	vst v20;
	v20 =	vadd.s32 v14, v19  }
0x161: {  	v19 =	vadd.s32 v15, v19;
	[tilespmem:$0xA0] =	vst v20  }
0x162: {  	[tilespmem:$0xB0] =	vst v19  }
0x163: {  	[tilespmem:s9], [sflag:$0x1] =	stream.indirect_vreg.gather [hbm4b:s1+s2], $0x80, v22, vm0, $0xb8;
	[tilespmem:$0x10100] =	vst v63  }
0x164: {  	s30 =	simm.s32 $0x900;
	v19 =	vperm.xlane v21, v18  }
0x165: {  	[tilespmem:s30], [sflag:$0x1] =	stream.indirect_vreg.gather [hbm4b:s4+s2], $0x80, v22, vm0, $0xb8;
	[tilespmem:$0x10100] =	vst v63  }
0x166: {  	s24 =	simm.s32 $0x1100;
	v19 =	vadd.s32 v17, v19  }
0x167: {  	[tilespmem:s24], [sflag:$0x1] =	stream.indirect_vreg.gather [hbm4b:s5+s2], $0x80, v22, vm0, $0xb8;
	[tilespmem:$0x10100] =	vst v63  }
0x168: {  	s31 =	simm.s32 $0x1900  }
0x169: {  	[tilespmem:s31], [sflag:$0x1] =	stream.indirect_vreg.gather [hbm4b:s6+s2], $0x80, v22, vm0, $0xb8;
	[tilespmem:$0x10100] =	vst v63  }
0x16a: {  	s24 =	simm.s32 $0x2100  }
0x16b: {  	[tilespmem:s24], [sflag:$0x1] =	stream.indirect_vreg.gather [hbm4b:s1+s2], $0x80, v19, vm0, $0xb8;
	[tilespmem:$0x10100] =	vst v63  }
0x16c: {  	s30 =	simm.s32 $0x2900  }
0x16d: {  	[tilespmem:s30], [sflag:$0x1] =	stream.indirect_vreg.gather [hbm4b:s4+s2], $0x80, v19, vm0, $0xb8;
	[tilespmem:$0x10100] =	vst v63  }
0x16e: {  	s31 =	simm.s32 $0x3100  }
0x16f: {  	[tilespmem:s31], [sflag:$0x1] =	stream.indirect_vreg.gather [hbm4b:s5+s2], $0x80, v19, vm0, $0xb8;
	[tilespmem:$0x10100] =	vst v63  }
0x170: {  	s24 =	simm.s32 $0x3900  }
0x171: {  	[tilespmem:s24], [sflag:$0x1] =	stream.indirect_vreg.gather [hbm4b:s6+s2], $0x80, v19, vm0, $0xb8;
	[tilespmem:$0x10100] =	vst v63  }
0x172: {  	v19 =	vld [tilespmem:$0x90];
	_ =	sdelay $0x4  }
0x173: {  	v20 =	vshll.u32 v19, $0x3  }
0x174: {  	v19 =	vand.u32 $0x7, v19;
	v20 =	vand.u32 $0xFFFFFFC0, v20  }
0x175: {  	v19 =	vor.u32 v19, v20  }
0x176: {  	v20 =	vperm.xlane v19, v16;
	_ =	sdelay $0x1  }
0x177: {  	v20 =	vadd.s32 v17, v20;
	_ =	sdelay $0x3  }
0x178: {  	s17 =	simm.s32 $0x4100  }
0x179: {  	[tilespmem:s17], [sflag:$0x1] =	stream.indirect_vreg.gather [hbm4b:s1+s2], $0x80, v20, vm0, $0xb8;
	[tilespmem:$0x10100] =	vst v63  }
0x17a: {  	s30 =	simm.s32 $0x4900;
	v19 =	vperm.xlane v19, v18  }
0x17b: {  	[tilespmem:s30], [sflag:$0x1] =	stream.indirect_vreg.gather [hbm4b:s4+s2], $0x80, v20, vm0, $0xb8;
	[tilespmem:$0x10100] =	vst v63  }
0x17c: {  	s31 =	simm.s32 $0x5100;
	v19 =	vadd.s32 v17, v19  }
0x17d: {  	[tilespmem:s31], [sflag:$0x1] =	stream.indirect_vreg.gather [hbm4b:s5+s2], $0x80, v20, vm0, $0xb8;
	[tilespmem:$0x10100] =	vst v63  }
0x17e: {  	s23 =	simm.s32 $0x5900  }
0x17f: {  	[tilespmem:s23], [sflag:$0x1] =	stream.indirect_vreg.gather [hbm4b:s6+s2], $0x80, v20, vm0, $0xb8;
	[tilespmem:$0x10100] =	vst v63  }
0x180: {  	s0 =	simm.s32 $0x6100  }
0x181: {  	[tilespmem:s0], [sflag:$0x1] =	stream.indirect_vreg.gather [hbm4b:s1+s2], $0x80, v19, vm0, $0xb8;
	[tilespmem:$0x10100] =	vst v63  }
0x182: {  	s3 =	simm.s32 $0x6900  }
0x183: {  	[tilespmem:s3], [sflag:$0x1] =	stream.indirect_vreg.gather [hbm4b:s4+s2], $0x80, v19, vm0, $0xb8;
	[tilespmem:$0x10100] =	vst v63  }
0x184: {  	s10 =	simm.s32 $0x7100  }
0x185: {  	[tilespmem:s10], [sflag:$0x1] =	stream.indirect_vreg.gather [hbm4b:s5+s2], $0x80, v19, vm0, $0xb8;
	[tilespmem:$0x10100] =	vst v63  }
0x186: {  	s14 =	simm.s32 $0x7900  }
0x187: {  	[tilespmem:s14], [sflag:$0x1] =	stream.indirect_vreg.gather [hbm4b:s6+s2], $0x80, v19, vm0, $0xb8;
	[tilespmem:$0x10100] =	vst v63  }
0x188: {  	v19 =	vld [tilespmem:$0xA0];
	_ =	sdelay $0x4  }
0x189: {  	v20 =	vshll.u32 v19, $0x3  }
0x18a: {  	v19 =	vand.u32 $0x7, v19;
	v20 =	vand.u32 $0xFFFFFFC0, v20  }
0x18b: {  	v19 =	vor.u32 v19, v20  }
0x18c: {  	v20 =	vperm.xlane v19, v16;
	_ =	sdelay $0x1  }
0x18d: {  	v20 =	vadd.s32 v17, v20;
	_ =	sdelay $0x3  }
0x18e: {  	s15 =	simm.s32 $0x8100  }
0x18f: {  	[tilespmem:s15], [sflag:$0x1] =	stream.indirect_vreg.gather [hbm4b:s1+s2], $0x80, v20, vm0, $0xb8;
	[tilespmem:$0x10100] =	vst v63  }
0x190: {  	s16 =	simm.s32 $0x8900;
	v19 =	vperm.xlane v19, v18  }
0x191: {  	[tilespmem:s16], [sflag:$0x1] =	stream.indirect_vreg.gather [hbm4b:s4+s2], $0x80, v20, vm0, $0xb8;
	[tilespmem:$0x10100] =	vst v63  }
0x192: {  	s11 =	simm.s32 $0x9100;
	v19 =	vadd.s32 v17, v19  }
0x193: {  	[tilespmem:s11], [sflag:$0x1] =	stream.indirect_vreg.gather [hbm4b:s5+s2], $0x80, v20, vm0, $0xb8;
	[tilespmem:$0x10100] =	vst v63  }
0x194: {  	s12 =	simm.s32 $0x9900  }
0x195: {  	[tilespmem:s12], [sflag:$0x1] =	stream.indirect_vreg.gather [hbm4b:s6+s2], $0x80, v20, vm0, $0xb8;
	[tilespmem:$0x10100] =	vst v63  }
0x196: {  	s13 =	simm.s32 $0xA100  }
0x197: {  	[tilespmem:s13], [sflag:$0x1] =	stream.indirect_vreg.gather [hbm4b:s1+s2], $0x80, v19, vm0, $0xb8;
	[tilespmem:$0x10100] =	vst v63  }
0x198: {  	s29 =	simm.s32 $0xA900  }
0x199: {  	[tilespmem:s29], [sflag:$0x1] =	stream.indirect_vreg.gather [hbm4b:s4+s2], $0x80, v19, vm0, $0xb8;
	[tilespmem:$0x10100] =	vst v63  }
0x19a: {  	s17 =	simm.s32 $0xB100  }
0x19b: {  	[tilespmem:s17], [sflag:$0x1] =	stream.indirect_vreg.gather [hbm4b:s5+s2], $0x80, v19, vm0, $0xb8;
	[tilespmem:$0x10100] =	vst v63  }
0x19c: {  	s19 =	simm.s32 $0xB900  }
0x19d: {  	[tilespmem:s19], [sflag:$0x1] =	stream.indirect_vreg.gather [hbm4b:s6+s2], $0x80, v19, vm0, $0xb8;
	[tilespmem:$0x10100] =	vst v63  }
0x19e: {  	v19 =	vld [tilespmem:$0xB0];
	_ =	sdelay $0x4  }
0x19f: {  	v20 =	vshll.u32 v19, $0x3  }
0x1a0: {  	v19 =	vand.u32 $0x7, v19;
	v20 =	vand.u32 $0xFFFFFFC0, v20  }
0x1a1: {  	v19 =	vor.u32 v19, v20  }
0x1a2: {  	v20 =	vperm.xlane v19, v16;
	_ =	sdelay $0x1  }
0x1a3: {  	v20 =	vadd.s32 v17, v20;
	_ =	sdelay $0x3  }
0x1a4: {  	s23 =	simm.s32 $0xC100  }
0x1a5: {  	[tilespmem:s23], [sflag:$0x1] =	stream.indirect_vreg.gather [hbm4b:s1+s2], $0x80, v20, vm0, $0xb8;
	[tilespmem:$0x10100] =	vst v63  }
0x1a6: {  	s24 =	simm.s32 $0xC900;
	v19 =	vperm.xlane v19, v18  }
0x1a7: {  	[tilespmem:s24], [sflag:$0x1] =	stream.indirect_vreg.gather [hbm4b:s4+s2], $0x80, v20, vm0, $0xb8;
	[tilespmem:$0x10100] =	vst v63  }
0x1a8: {  	s20 =	simm.s32 $0xD100;
	v19 =	vadd.s32 v17, v19  }
0x1a9: {  	[tilespmem:s20], [sflag:$0x1] =	stream.indirect_vreg.gather [hbm4b:s5+s2], $0x80, v20, vm0, $0xb8;
	[tilespmem:$0x10100] =	vst v63  }
0x1aa: {  	s25 =	simm.s32 $0xD900  }
0x1ab: {  	[tilespmem:s25], [sflag:$0x1] =	stream.indirect_vreg.gather [hbm4b:s6+s2], $0x80, v20, vm0, $0xb8;
	[tilespmem:$0x10100] =	vst v63  }
0x1ac: {  	s21 =	simm.s32 $0xE100  }
0x1ad: {  	[tilespmem:s21], [sflag:$0x1] =	stream.indirect_vreg.gather [hbm4b:s1+s2], $0x80, v19, vm0, $0xb8;
	[tilespmem:$0x10100] =	vst v63  }
0x1ae: {  	s22 =	simm.s32 $0xE900  }
0x1af: {  	[tilespmem:s22], [sflag:$0x1] =	stream.indirect_vreg.gather [hbm4b:s4+s2], $0x80, v19, vm0, $0xb8;
	[tilespmem:$0x10100] =	vst v63  }
0x1b0: {  	s26 =	simm.s32 $0xF100  }
0x1b1: {  	[tilespmem:s26], [sflag:$0x1] =	stream.indirect_vreg.gather [hbm4b:s5+s2], $0x80, v19, vm0, $0xb8;
	[tilespmem:$0x10100] =	vst v63  }
0x1b2: {  	s28 =	simm.s32 $0xF900  }
0x1b3: {  	[tilespmem:s28], [sflag:$0x1] =	stream.indirect_vreg.gather [hbm4b:s6+s2], $0x80, v19, vm0, $0xb8;
	[tilespmem:$0x10100] =	vst v63  }
0x1b4: {  	_ =	swait.ge [sflag:s18], $0x10000  }
0x1b5: {  	[sflag:s18] =	ssyncset.done $0x0  }
0x1b6: {  	s28 =	rddreg [dreg:$0x11];
	[sflag:s18] =	ssyncadd.s32 $0xFFFF0000  }
0x1b7: {  	[hbm4b:s28+s2] =	stream.linear.scatter [tilespmem:s9], [sflag:$0x2], $0x10000, $0x38;
	[tilespmem:$0x10100] =	vst v63  }
0x1b8: {  	_ =	swait.ge [sflag:s8], $0x10000  }
0x1b9: {  	[sflag:s8] =	ssyncset.done $0x0  }
0x1ba: {  	s29 =	rddreg [dreg:$0x12];
	[sflag:s8] =	ssyncadd.s32 $0xFFFF0000  }
0x1bb: {  	[hbm4b:s29+s2] =	stream.linear.scatter [tilespmem:s9], [sflag:$0x2], $0x10000, $0x38;
	[tilespmem:$0x10100] =	vst v63  }
0x1bc: {  	_ =	swait.ge [sflag:s8], $0x10000  }
0x1bd: {  	[sflag:s8] =	ssyncset.done $0x0  }
0x1be: {  	s30 =	rddreg [dreg:$0x13];
	[sflag:s8] =	ssyncadd.s32 $0xFFFF0000  }
0x1bf: {  	[hbm4b:s30+s2] =	stream.linear.scatter [tilespmem:s9], [sflag:$0x2], $0x10000, $0x38;
	[tilespmem:$0x10100] =	vst v63  }
0x1c0: {  	_ =	swait.ge [sflag:s8], $0x10000  }
0x1c1: {  	p0 =	sne.s32 s7, $0x1;
	[sflag:s8] =	ssyncset.done $0x0  }
.Ltmp0:
0x1c2: {  	s31 =	rddreg [dreg:$0x14];
	[sflag:s8] =	ssyncadd.s32 $0xFFFF0000;
	(pc) =	sbr.rel @p0 .LBB2_1-.Ltmp0, $4  }
0x1c3: {  	[hbm4b:s31+s2] =	stream.linear.scatter [tilespmem:s9], [sflag:$0x2], $0x10000, $0x38;
	[tilespmem:$0x10100] =	vst v63  }
0x1c4: {  	_ =	swait.ge [sflag:s8], $0x10000  }
0x1c5: {  	[sflag:s8] =	ssyncset.done $0x0  }
0x1c6: {  	s7 =	sadd.s32 $0xFFFFFFFF, s7;
	[sflag:s8] =	ssyncadd.s32 $0xFFFF0000  }
0x1c7: {  	_ =	sfence.sel $0x180000  }
0x1c8: {  	[bflag:$0x0] =	sbarrier.arrive $0xFFFF  }
0x1c9: {  	_ =	strace $0x90000047  }
0x1ca: {  	s0 =	stileid.u32;
	[bflag:$0x2] =	sbarrier.arrive $0xFFFF  }
0x1cb: {  	p0 =	sne.s32 s0, $0x0;
	s0 =	rddreg [dreg:$0x3]  }
0x1cc: {  	s0 =	sadd.s32 @!p0 $0x100000, s0  }
0x1cd: {  	[sflag:s0] =	ssyncadd.tile.s32 @!p0 $0x1;
	_ =	shalt  }
.Lfunc_end2:
_tile_overlayer_lowered:
.L_overlay_start_2:
0x1ce: {  	(tag) =	ssettag $0x2  }
0x1cf: {  	s0 =	rddreg [dreg:$0x0];
	s2 =	stileid.u32  }
0x1d0: {  	s1 =	rddreg [dreg:$0x1];
	p0 =	sne.s32 s2, $0x0  }
0x1d1: {  	s3 =	rddreg [dreg:$0x2];
	[bflag:$0x3] =	sbarrier.arrive $0xFFFF;
	s2 =	simm.s32 @!p0 $0x1C02  }
0x1d2: {  	[timem:s3], [sflag:s2] =	dma.local @!p0 [hbm:s0], s1  }
0x1d3: {  	s0 =	simm.s32 @!p0 $0x2  }
0x1d4: {  	_ =	swait.ge @!p0 [sflag:s0], s1  }
0x1d5: {  	s1 =	ssub.s32 @!p0 $0x0, s1;
	[sflag:s0] =	ssyncset.done @!p0 $0x0  }
0x1d6: {  	[sflag:s0] =	ssyncadd.s32 @!p0 s1  }
0x1d7: {  	[bflag:$0x3] =	sbarrier.arrive $0xFFFF  }
0x1d8: {  	_ =	shalt  }

</sc_bundles>
